<compile_context>
chip_gen: v7x
topology: tpu7x:2x2x1
jax: 0.10.2.dev20260603
libtpu: 0.0.44.dev20260713+nightly
codegen_flags: <defaults>
</compile_context>

<pallas_src>
import functools

import jax
import jax.numpy as jnp
from jax import lax
from jax.experimental import pallas as pl
from jax.experimental.pallas import tpu as pltpu
from jax.experimental.pallas import tpu_sc as plsc

_B, _D, _L = 8, 64, 1024
_K = 8192
_N = _B * _L
_COMMIT = 0.25

_NT = 2048
_BT = _NT // _L
_CK = 256
_GRID_N = _N // _NT


def _vq_body(x_ref, cb_ref, idx_ref, commit_ref, cn_out_ref, cn_sc):
    n = pl.program_id(0)

    @pl.when(n == 0)
    def _():
        t = cb_ref[...]
        ss = jnp.sum(t * t, axis=1, keepdims=True)
        den = jnp.maximum(jnp.sqrt(ss), 1e-12)
        cn = jnp.concatenate(
            [t / den, jnp.zeros((_K, 128 - _D), jnp.float32)], axis=1)
        cn_sc[...] = cn
        cn_out_ref[...] = cn

    xt = jnp.transpose(x_ref[...], (0, 2, 1)).reshape(_NT, _D)
    ss = jnp.sum(xt * xt, axis=1, keepdims=True)
    nrm = jnp.sqrt(ss)
    den = jnp.maximum(nrm, 1e-12)
    fn = jnp.concatenate(
        [xt / den, jnp.zeros((_NT, 128 - _D), jnp.float32)], axis=1)

    m = jnp.full((_NT, 128), -jnp.inf, jnp.float32)
    aux = jnp.full((_NT, 128), -jnp.inf, jnp.float32)
    kb = jnp.zeros((_NT, 128), jnp.int32)
    for c in range(_K // _CK):
        sim = lax.dot_general(
            fn, cn_sc[c * _CK:(c + 1) * _CK, :],
            (((1,), (1,)), ((), ())),
            preferred_element_type=jnp.float32,
        )
        s_a = sim[:, 0:128]
        s_b = sim[:, 128:256]
        mm = jnp.maximum(s_a, s_b)
        upd = mm > m
        m = jnp.where(upd, mm, m)
        kb = jnp.where(upd, jnp.int32(c), kb)
        aux = jnp.where(upd, s_a, aux)

    row_max = jnp.max(m, axis=1, keepdims=True)
    kglob = (kb * _CK
             + jnp.where(aux == m, jnp.int32(0), jnp.int32(128))
             + lax.broadcasted_iota(jnp.int32, m.shape, 1))
    cand = jnp.where(m == row_max, kglob, jnp.int32(1 << 30))
    idx_ref[...] = jnp.min(cand, axis=1).reshape(_NT // 256, 256)

    part = jnp.sum(nrm * nrm - 2.0 * nrm * row_max + 1.0,
                   keepdims=True)[:, :1]

    @pl.when(n == 0)
    def _():
        commit_ref[...] = jnp.zeros_like(commit_ref[...])
    commit_ref[...] += part * (_COMMIT / (_N * _D))


def _vq_argmax(x, codebook, interpret=False):
    return pl.pallas_call(
        _vq_body,
        grid=(_GRID_N,),
        in_specs=[
            pl.BlockSpec((_BT, _D, _L), lambda n: (n, 0, 0)),
            pl.BlockSpec((_K, _D), lambda n: (0, 0)),
        ],
        out_specs=[
            pl.BlockSpec((_NT // 256, 256), lambda n: (n, 0)),
            pl.BlockSpec((1, 1), lambda n: (0, 0)),
            pl.BlockSpec((_K, 128), lambda n: (0, 0)),
        ],
        out_shape=[
            jax.ShapeDtypeStruct((_N // 256, 256), jnp.int32),
            jax.ShapeDtypeStruct((1, 1), jnp.float32),
            jax.ShapeDtypeStruct((_K, 128), jnp.float32),
        ],
        scratch_shapes=[
            pltpu.VMEM((_K, 128), jnp.float32),
        ],
        interpret=interpret,
    )(x, codebook)


def _gather(cn_pad, idx):
    info = plsc.get_sparse_core_info()
    nc, ns = info.num_cores, info.num_subcores
    nw = nc * ns
    b_per_w = _N // nw
    mesh = plsc.VectorSubcoreMesh(core_axis_name="c", subcore_axis_name="s")

    @functools.partial(
        pl.kernel,
        out_type=jax.ShapeDtypeStruct((_N, 128), jnp.float32),
        mesh=mesh,
        scratch_types=[
            pltpu.VMEM((b_per_w,), jnp.int32),
            pltpu.VMEM((b_per_w, 128), jnp.float32),
            pltpu.SemaphoreType.DMA,
        ],
    )
    def gather_k(table_hbm, idx_hbm, out_hbm, idx_v, rows_v, sem):
        wid = lax.axis_index("s") * nc + lax.axis_index("c")
        base = wid * b_per_w
        pltpu.sync_copy(idx_hbm.at[wid], idx_v)
        pltpu.async_copy(table_hbm.at[idx_v], rows_v, sem).wait()
        pltpu.sync_copy(rows_v, out_hbm.at[pl.ds(base, b_per_w)])

    return gather_k(cn_pad, idx)


def kernel(x, codebook):
    idx, commit, cn_pad = _vq_argmax(x, codebook)
    q_flat = _gather(cn_pad, idx)
    q = jnp.transpose(q_flat.reshape(_B, _L, 128)[:, :, :_D], (0, 2, 1))
    return q, commit.reshape(())

# --- scband reference (transcript-rebuilt; emitter-appended) ---
"""Pipeline reference for scband-vector-quantizer-274877906975 (READ-ONLY COPY).

The authoritative reference and input builder live on the scoring server;
editing this copy changes nothing except your own understanding.
"""

import jax, jax.numpy as jnp
import numpy as np

B, D, L = 8, 64, 1024
K = 8192
COMMIT = 0.25


def l2norm(t, axis=-1, eps=1e-12):
    return t / jnp.clip(jnp.linalg.norm(t, axis=axis, keepdims=True), eps, None)


def setup_inputs(seed: int = 0) -> dict:
    key = jax.random.key(seed)
    k1, k2 = jax.random.split(key)
    x = jax.random.normal(k1, (B, D, L), dtype=jnp.float32)
    codebook = jax.random.normal(k2, (K, D), dtype=jnp.float32)
    return {"x": x, "codebook": codebook}


def rotate_to(src, tgt):
    # rotation trick (arXiv:2410.06424), efficient Householder form as in
    # lucidrains/vector_quantize_pytorch. src, tgt: [N, d]
    norm_src = jnp.linalg.norm(src, axis=-1, keepdims=True)
    norm_tgt = jnp.linalg.norm(tgt, axis=-1, keepdims=True)
    u = src / jnp.clip(norm_src, 1e-12, None)
    q = tgt / jnp.clip(norm_tgt, 1e-12, None)
    w = jax.lax.stop_gradient(l2norm(u + q))
    u_d = jax.lax.stop_gradient(u)
    e = src
    ew = jnp.sum(e * w, axis=-1, keepdims=True)
    eu = jnp.sum(e * u_d, axis=-1, keepdims=True)
    rotated = e - 2.0 * ew * w + 2.0 * eu * q
    scale = jax.lax.stop_gradient(norm_tgt / jnp.clip(norm_src, 1e-12, None))
    return rotated * scale


def reference(x, codebook):
    # x: [B, D, L] -> transpose to [B, L, D] as in the torch wrapper
    xt = jnp.transpose(x, (0, 2, 1))
    flat = xt.reshape(-1, D)                      # [N, D], N = B*L
    # cosine-sim codebook: l2-normalize inputs and codebook
    fn = l2norm(flat)
    cn = l2norm(codebook)
    sim = fn @ cn.T                               # [N, K] cosine similarity
    idx = jnp.argmax(sim, axis=-1)                # nearest code by cosine sim
    quant = jnp.take(cn, idx, axis=0)             # [N, D] gather from codebook
    # rotation trick straight-through
    quant = rotate_to(flat, quant)
    # commitment loss (quantize detached, as learnable_codebook=False path)
    commit = jnp.mean((jax.lax.stop_gradient(quant) - flat) ** 2) * COMMIT
    q = quant.reshape(B, L, D)
    q = jnp.transpose(q, (0, 2, 1))               # back to [B, D, L]
    return q, commit

if __name__ == "__main__":
    import jax
    _d = setup_inputs()
    print(jax.jit(kernel)(*tuple(_d.values())))

</pallas_src>

<mosaic_0001>
#map = affine_map<(d0, d1) -> (0, 0)>
module attributes {stable_mosaic.version = 14 : i64} {
  func.func @gather_k(%arg0: i32, %arg1: i32, %arg2: memref<8192x128xf32, #tpu.memory_space<hbm>>, %arg3: memref<32x256xi32, #tpu.memory_space<hbm>>, %arg4: memref<8192x128xf32, #tpu.memory_space<hbm>>, %arg5: memref<256xi32, #tpu.memory_space<vmem>>, %arg6: memref<256x128xf32, #tpu.memory_space<vmem>>, %arg7: memref<!tpu.dma_semaphore, #tpu.memory_space<semaphore_mem>>) attributes {dimension_semantics = [#tpu.dimension_semantics<core_parallel>, #tpu.dimension_semantics<subcore_parallel>], iteration_bounds = array<i64: 2, 16>, scalar_prefetch = 0 : i64, scratch_operands = 3 : i64, tpu.core_type = #tpu.core_type<sc_vector_subcore>, window_params = [{transform_indices = #map}, {transform_indices = #map}, {transform_indices = #map}]} {
    %mul3A = arith.constant 2 : i32
    %mul3A_0 = arith.muli %arg1, %mul3A : i32
    %add3A = arith.addi %mul3A_0, %arg0 : i32
    %mul3A_1 = arith.constant 256 : i32
    %mul3A_2 = arith.muli %add3A, %mul3A_1 : i32
    "tpu.region"() ({
      %run_scoped3A = tpu.sem_alloc : memref<!tpu.dma_semaphore, #tpu.memory_space<semaphore_mem>>
      %dma_start3A_7 = arith.constant 0 : i32
      %dma_start3A_8 = tpu.memref_slice %arg3[%add3A, %dma_start3A_7] : memref<32x256xi32, #tpu.memory_space<hbm>> -> memref<1x256xi32, #tpu.memory_space<hbm>>
      %dma_start3A_9 = tpu.memref_squeeze %dma_start3A_8 : memref<1x256xi32, #tpu.memory_space<hbm>> -> memref<256xi32, #tpu.memory_space<hbm>>
      %dma_start3A_10 = arith.constant 0 : i32
      %dma_start3A_11 = tpu.memref_slice %arg3[%add3A, %dma_start3A_10] : memref<32x256xi32, #tpu.memory_space<hbm>> -> memref<1x256xi32, #tpu.memory_space<hbm>>
      %dma_start3A_12 = tpu.memref_squeeze %dma_start3A_11 : memref<1x256xi32, #tpu.memory_space<hbm>> -> memref<256xi32, #tpu.memory_space<hbm>>
      tpu.enqueue_dma source(%dma_start3A_12 : memref<256xi32, #tpu.memory_space<hbm>>) target(%arg5 : memref<256xi32, #tpu.memory_space<vmem>>) target_semaphore(%run_scoped3A : memref<!tpu.dma_semaphore, #tpu.memory_space<semaphore_mem>>)
      %dma_wait3A_13 = arith.constant 0 : i32
      %dma_wait3A_14 = tpu.memref_slice %arg3[%add3A, %dma_wait3A_13] : memref<32x256xi32, #tpu.memory_space<hbm>> -> memref<1x256xi32, #tpu.memory_space<hbm>>
      %dma_wait3A_15 = tpu.memref_squeeze %dma_wait3A_14 : memref<1x256xi32, #tpu.memory_space<hbm>> -> memref<256xi32, #tpu.memory_space<hbm>>
      %dma_wait3A_16 = arith.constant 0 : i32
      %dma_wait3A_17 = tpu.memref_slice %arg3[%add3A, %dma_wait3A_16] : memref<32x256xi32, #tpu.memory_space<hbm>> -> memref<1x256xi32, #tpu.memory_space<hbm>>
      %dma_wait3A_18 = tpu.memref_squeeze %dma_wait3A_17 : memref<1x256xi32, #tpu.memory_space<hbm>> -> memref<256xi32, #tpu.memory_space<hbm>>
      tpu.wait_dma2 semaphore(%run_scoped3A : memref<!tpu.dma_semaphore, #tpu.memory_space<semaphore_mem>>) src(%dma_wait3A_18 : memref<256xi32, #tpu.memory_space<hbm>>) dst(%arg5 : memref<256xi32, #tpu.memory_space<vmem>>)
      tpu.yield
    }) : () -> ()
    %dma_start3A = arith.constant 0 : i32
    %dma_start3A_3 = arith.constant 0 : i32
    %dma_start3A_4 = tpu.memref_slice %arg2[%dma_start3A, %dma_start3A_3] : memref<8192x128xf32, #tpu.memory_space<hbm>> -> memref<8192x128xf32, #tpu.memory_space<hbm>>
    tpu.enqueue_indirect_dma source(%dma_start3A_4 : memref<8192x128xf32, #tpu.memory_space<hbm>>) target(%arg6 : memref<256x128xf32, #tpu.memory_space<vmem>>) offsets(%arg5 : memref<256xi32, #tpu.memory_space<vmem>>) semaphore(%arg7 : memref<!tpu.dma_semaphore, #tpu.memory_space<semaphore_mem>>)
    %dma_wait3A = arith.constant 0 : i32
    %dma_wait3A_5 = arith.constant 0 : i32
    %dma_wait3A_6 = tpu.memref_slice %arg2[%dma_wait3A, %dma_wait3A_5] : memref<8192x128xf32, #tpu.memory_space<hbm>> -> memref<8192x128xf32, #tpu.memory_space<hbm>>
    tpu.wait_indirect_dma semaphore(%arg7 : memref<!tpu.dma_semaphore, #tpu.memory_space<semaphore_mem>>) src(%dma_wait3A_6 : memref<8192x128xf32, #tpu.memory_space<hbm>>) dst(%arg6 : memref<256x128xf32, #tpu.memory_space<vmem>>)
    "tpu.region"() ({
      %run_scoped3A = tpu.sem_alloc : memref<!tpu.dma_semaphore, #tpu.memory_space<semaphore_mem>>
      %dma_start3A_7 = arith.constant 0 : i32
      %dma_start3A_8 = tpu.memref_slice %arg4[%mul3A_2, %dma_start3A_7] : memref<8192x128xf32, #tpu.memory_space<hbm>> -> memref<256x128xf32, #tpu.memory_space<hbm>>
      %dma_start3A_9 = arith.constant 0 : i32
      %dma_start3A_10 = tpu.memref_slice %arg4[%mul3A_2, %dma_start3A_9] : memref<8192x128xf32, #tpu.memory_space<hbm>> -> memref<256x128xf32, #tpu.memory_space<hbm>>
      tpu.enqueue_dma source(%arg6 : memref<256x128xf32, #tpu.memory_space<vmem>>) target(%dma_start3A_10 : memref<256x128xf32, #tpu.memory_space<hbm>>) target_semaphore(%run_scoped3A : memref<!tpu.dma_semaphore, #tpu.memory_space<semaphore_mem>>)
      %dma_wait3A_11 = arith.constant 0 : i32
      %dma_wait3A_12 = tpu.memref_slice %arg4[%mul3A_2, %dma_wait3A_11] : memref<8192x128xf32, #tpu.memory_space<hbm>> -> memref<256x128xf32, #tpu.memory_space<hbm>>
      %dma_wait3A_13 = arith.constant 0 : i32
      %dma_wait3A_14 = tpu.memref_slice %arg4[%mul3A_2, %dma_wait3A_13] : memref<8192x128xf32, #tpu.memory_space<hbm>> -> memref<256x128xf32, #tpu.memory_space<hbm>>
      tpu.wait_dma2 semaphore(%run_scoped3A : memref<!tpu.dma_semaphore, #tpu.memory_space<semaphore_mem>>) src(%arg6 : memref<256x128xf32, #tpu.memory_space<vmem>>) dst(%dma_wait3A_14 : memref<256x128xf32, #tpu.memory_space<hbm>>)
      tpu.yield
    }) : () -> ()
    return
  }
}

module attributes {stable_mosaic.version = 14 : i64} {
  func.func @_vq_body(%arg0: i32, %arg1: memref<2x64x1024xf32, #tpu.memory_space<vmem>>, %arg2: memref<8192x64xf32, #tpu.memory_space<vmem>>, %arg3: memref<8x256xi32, #tpu.memory_space<vmem>>, %arg4: memref<1x1xf32, #tpu.memory_space<vmem>>, %arg5: memref<8192x128xf32, #tpu.memory_space<vmem>>, %arg6: memref<8192x128xf32, #tpu.memory_space<vmem>>) attributes {dimension_semantics = [#tpu.dimension_semantics<arbitrary>], iteration_bounds = array<i64: 4>, scalar_prefetch = 0 : i64, scratch_operands = 1 : i64, tpu.core_type = #tpu.core_type<tc>, window_params = [{transform_indices = @transform_0, window_bounds = array<i64: 2, 64, 1024>}, {pipeline_mode = #tpu.pipeline_mode<synchronous>, transform_indices = @transform_1, window_bounds = array<i64: 8192, 64>}, {transform_indices = @transform_2, window_bounds = array<i64: 8, 256>}, {pipeline_mode = #tpu.pipeline_mode<synchronous>, transform_indices = @transform_3, window_bounds = array<i64: 1, 1>}, {pipeline_mode = #tpu.pipeline_mode<synchronous>, transform_indices = @transform_4, window_bounds = array<i64: 8192, 128>}]} {
    %eq3A = arith.constant 0 : i32
    %eq3A_0 = arith.cmpi eq, %arg0, %eq3A : i32
    %convert_element_type3A = arith.extui %eq3A_0 : i1 to i32
    %cond3A = arith.constant 0 : i32
    %cond3A_1 = arith.cmpi ne, %convert_element_type3A, %cond3A : i32
    scf.if %cond3A_1 {
      %get3A_510 = arith.constant 0 : index
      %get3A_511 = arith.constant 0 : index
      %get3A_512 = vector.load %arg2[%get3A_510, %get3A_511] : memref<8192x64xf32, #tpu.memory_space<vmem>>, vector<8192x64xf32>
      %mul3A_513 = arith.mulf %get3A_512, %get3A_512 : vector<8192x64xf32>
      %reduce_sum3A_514 = arith.constant dense<0.000000e+00> : vector<8192xf32>
      %reduce_sum3A_515 = vector.multi_reduction <add>, %mul3A_513, %reduce_sum3A_514 [1] : vector<8192x64xf32> to vector<8192xf32>
      %broadcast_in_dim3A_516 = vector.shape_cast %reduce_sum3A_515 : vector<8192xf32> to vector<8192x1xf32>
      %sqrt3A_517 = math.sqrt %broadcast_in_dim3A_516 : vector<8192x1xf32>
      %max3A_518 = arith.constant 9.99999996E-13 : f32
      %max3A_519 = vector.broadcast %max3A_518 : f32 to vector<8192x1xf32>
      %max3A_520 = arith.maximumf %sqrt3A_517, %max3A_519 : vector<8192x1xf32>
      %div3A_521 = vector.broadcast %max3A_520 : vector<8192x1xf32> to vector<8192x64xf32>
      %div3A_522 = arith.divf %get3A_512, %div3A_521 : vector<8192x64xf32>
      %broadcast_in_dim3A_523 = arith.constant 0.000000e+00 : f32
      %broadcast_in_dim3A_524 = vector.broadcast %broadcast_in_dim3A_523 : f32 to vector<8192x64xf32>
      %concatenate3A_525 = tpu.concatenate %div3A_522, %broadcast_in_dim3A_524 in 1 : vector<8192x64xf32>, vector<8192x64xf32> -> vector<8192x128xf32>
      %swap3A_526 = arith.constant 0 : index
      %swap3A_527 = arith.constant 0 : index
      %swap3A_528 = vector.load %arg6[%swap3A_526, %swap3A_527] : memref<8192x128xf32, #tpu.memory_space<vmem>>, vector<8192x128xf32>
      tpu.vector_store %arg6[%swap3A_526, %swap3A_527], %concatenate3A_525 {strides = array<i32>} : memref<8192x128xf32, #tpu.memory_space<vmem>>, vector<8192x128xf32>,
      %swap3A_529 = arith.constant 0 : index
      %swap3A_530 = arith.constant 0 : index
      %swap3A_531 = vector.load %arg5[%swap3A_529, %swap3A_530] : memref<8192x128xf32, #tpu.memory_space<vmem>>, vector<8192x128xf32>
      tpu.vector_store %arg5[%swap3A_529, %swap3A_530], %concatenate3A_525 {strides = array<i32>} : memref<8192x128xf32, #tpu.memory_space<vmem>>, vector<8192x128xf32>,
    } else {
    }
    %get3A = arith.constant 0 : index
    %get3A_2 = arith.constant 0 : index
    %get3A_3 = arith.constant 0 : index
    %get3A_4 = vector.load %arg1[%get3A, %get3A_2, %get3A_3] : memref<2x64x1024xf32, #tpu.memory_space<vmem>>, vector<2x64x1024xf32>
    %transpose3A = tpu.transpose %get3A_4, [0, 2, 1] : vector<2x64x1024xf32> -> vector<2x1024x64xf32>
    %reshape3A = vector.shape_cast %transpose3A : vector<2x1024x64xf32> to vector<2048x64xf32>
    %mul3A = arith.mulf %reshape3A, %reshape3A : vector<2048x64xf32>
    %reduce_sum3A = arith.constant dense<0.000000e+00> : vector<2048xf32>
    %reduce_sum3A_5 = vector.multi_reduction <add>, %mul3A, %reduce_sum3A [1] : vector<2048x64xf32> to vector<2048xf32>
    %broadcast_in_dim3A = vector.shape_cast %reduce_sum3A_5 : vector<2048xf32> to vector<2048x1xf32>
    %sqrt3A = math.sqrt %broadcast_in_dim3A : vector<2048x1xf32>
    %max3A = arith.constant 9.99999996E-13 : f32
    %max3A_6 = vector.broadcast %max3A : f32 to vector<2048x1xf32>
    %max3A_7 = arith.maximumf %sqrt3A, %max3A_6 : vector<2048x1xf32>
    %div3A = vector.broadcast %max3A_7 : vector<2048x1xf32> to vector<2048x64xf32>
    %div3A_8 = arith.divf %reshape3A, %div3A : vector<2048x64xf32>
    %broadcast_in_dim3A_9 = arith.constant 0.000000e+00 : f32
    %broadcast_in_dim3A_10 = vector.broadcast %broadcast_in_dim3A_9 : f32 to vector<2048x64xf32>
    %concatenate3A = tpu.concatenate %div3A_8, %broadcast_in_dim3A_10 in 1 : vector<2048x64xf32>, vector<2048x64xf32> -> vector<2048x128xf32>
    %broadcast_in_dim3A_11 = arith.constant 0xFF800000 : f32
    %broadcast_in_dim3A_12 = vector.broadcast %broadcast_in_dim3A_11 : f32 to vector<2048x128xf32>
    %broadcast_in_dim3A_13 = arith.constant 0xFF800000 : f32
    %broadcast_in_dim3A_14 = vector.broadcast %broadcast_in_dim3A_13 : f32 to vector<2048x128xf32>
    %broadcast_in_dim3A_15 = arith.constant 0 : i32
    %broadcast_in_dim3A_16 = vector.broadcast %broadcast_in_dim3A_15 : i32 to vector<2048x128xi32>
    %get3A_17 = arith.constant 0 : index
    %get3A_18 = arith.constant 0 : index
    %get3A_19 = vector.load %arg6[%get3A_17, %get3A_18] : memref<8192x128xf32, #tpu.memory_space<vmem>>, vector<256x128xf32>
    %dot_general3A = arith.constant dense<0.000000e+00> : vector<2048x256xf32>
    %dot_general3A_20 = tpu.matmul %concatenate3A, %get3A_19, %dot_general3A {dimension_numbers = #tpu.dot_dimension_numbers<[1], [1], [0], [0], [0, 0, 1, 0], [], []>, transpose_lhs_hint = false} : vector<2048x128xf32>, vector<256x128xf32>, vector<2048x256xf32> -> vector<2048x256xf32>
    %slice3A = vector.extract_strided_slice %dot_general3A_20 {offsets = [0, 0], sizes = [2048, 128], strides = [1, 1]} : vector<2048x256xf32> to vector<2048x128xf32>
    %slice3A_21 = vector.extract_strided_slice %dot_general3A_20 {offsets = [0, 128], sizes = [2048, 128], strides = [1, 1]} : vector<2048x256xf32> to vector<2048x128xf32>
    %max3A_22 = arith.maximumf %slice3A, %slice3A_21 : vector<2048x128xf32>
    %gt3A = arith.cmpf ogt, %max3A_22, %broadcast_in_dim3A_12 : vector<2048x128xf32>
    %select_n3A = arith.select %gt3A, %max3A_22, %broadcast_in_dim3A_12 : vector<2048x128xi1>, vector<2048x128xf32>
    %jit3A = arith.constant 0 : i32
    %broadcast_in_dim3A_23 = vector.broadcast %jit3A : i32 to vector<2048x128xi32>
    %select_n3A_24 = arith.select %gt3A, %broadcast_in_dim3A_23, %broadcast_in_dim3A_16 : vector<2048x128xi1>, vector<2048x128xi32>
    %select_n3A_25 = arith.select %gt3A, %slice3A, %broadcast_in_dim3A_14 : vector<2048x128xi1>, vector<2048x128xf32>
    %get3A_26 = arith.constant 256 : index
    %get3A_27 = arith.constant 0 : index
    %get3A_28 = vector.load %arg6[%get3A_26, %get3A_27] : memref<8192x128xf32, #tpu.memory_space<vmem>>, vector<256x128xf32>
    %dot_general3A_29 = arith.constant dense<0.000000e+00> : vector<2048x256xf32>
    %dot_general3A_30 = tpu.matmul %concatenate3A, %get3A_28, %dot_general3A_29 {dimension_numbers = #tpu.dot_dimension_numbers<[1], [1], [0], [0], [0, 0, 1, 0], [], []>, transpose_lhs_hint = false} : vector<2048x128xf32>, vector<256x128xf32>, vector<2048x256xf32> -> vector<2048x256xf32>
    %slice3A_31 = vector.extract_strided_slice %dot_general3A_30 {offsets = [0, 0], sizes = [2048, 128], strides = [1, 1]} : vector<2048x256xf32> to vector<2048x128xf32>
    %slice3A_32 = vector.extract_strided_slice %dot_general3A_30 {offsets = [0, 128], sizes = [2048, 128], strides = [1, 1]} : vector<2048x256xf32> to vector<2048x128xf32>
    %max3A_33 = arith.maximumf %slice3A_31, %slice3A_32 : vector<2048x128xf32>
    %gt3A_34 = arith.cmpf ogt, %max3A_33, %select_n3A : vector<2048x128xf32>
    %select_n3A_35 = arith.select %gt3A_34, %max3A_33, %select_n3A : vector<2048x128xi1>, vector<2048x128xf32>
    %jit3A_36 = arith.constant 1 : i32
    %broadcast_in_dim3A_37 = vector.broadcast %jit3A_36 : i32 to vector<2048x128xi32>
    %select_n3A_38 = arith.select %gt3A_34, %broadcast_in_dim3A_37, %select_n3A_24 : vector<2048x128xi1>, vector<2048x128xi32>
    %select_n3A_39 = arith.select %gt3A_34, %slice3A_31, %select_n3A_25 : vector<2048x128xi1>, vector<2048x128xf32>
    %get3A_40 = arith.constant 512 : index
    %get3A_41 = arith.constant 0 : index
    %get3A_42 = vector.load %arg6[%get3A_40, %get3A_41] : memref<8192x128xf32, #tpu.memory_space<vmem>>, vector<256x128xf32>
    %dot_general3A_43 = arith.constant dense<0.000000e+00> : vector<2048x256xf32>
    %dot_general3A_44 = tpu.matmul %concatenate3A, %get3A_42, %dot_general3A_43 {dimension_numbers = #tpu.dot_dimension_numbers<[1], [1], [0], [0], [0, 0, 1, 0], [], []>, transpose_lhs_hint = false} : vector<2048x128xf32>, vector<256x128xf32>, vector<2048x256xf32> -> vector<2048x256xf32>
    %slice3A_45 = vector.extract_strided_slice %dot_general3A_44 {offsets = [0, 0], sizes = [2048, 128], strides = [1, 1]} : vector<2048x256xf32> to vector<2048x128xf32>
    %slice3A_46 = vector.extract_strided_slice %dot_general3A_44 {offsets = [0, 128], sizes = [2048, 128], strides = [1, 1]} : vector<2048x256xf32> to vector<2048x128xf32>
    %max3A_47 = arith.maximumf %slice3A_45, %slice3A_46 : vector<2048x128xf32>
    %gt3A_48 = arith.cmpf ogt, %max3A_47, %select_n3A_35 : vector<2048x128xf32>
    %select_n3A_49 = arith.select %gt3A_48, %max3A_47, %select_n3A_35 : vector<2048x128xi1>, vector<2048x128xf32>
    %jit3A_50 = arith.constant 2 : i32
    %broadcast_in_dim3A_51 = vector.broadcast %jit3A_50 : i32 to vector<2048x128xi32>
    %select_n3A_52 = arith.select %gt3A_48, %broadcast_in_dim3A_51, %select_n3A_38 : vector<2048x128xi1>, vector<2048x128xi32>
    %select_n3A_53 = arith.select %gt3A_48, %slice3A_45, %select_n3A_39 : vector<2048x128xi1>, vector<2048x128xf32>
    %get3A_54 = arith.constant 768 : index
    %get3A_55 = arith.constant 0 : index
    %get3A_56 = vector.load %arg6[%get3A_54, %get3A_55] : memref<8192x128xf32, #tpu.memory_space<vmem>>, vector<256x128xf32>
    %dot_general3A_57 = arith.constant dense<0.000000e+00> : vector<2048x256xf32>
    %dot_general3A_58 = tpu.matmul %concatenate3A, %get3A_56, %dot_general3A_57 {dimension_numbers = #tpu.dot_dimension_numbers<[1], [1], [0], [0], [0, 0, 1, 0], [], []>, transpose_lhs_hint = false} : vector<2048x128xf32>, vector<256x128xf32>, vector<2048x256xf32> -> vector<2048x256xf32>
    %slice3A_59 = vector.extract_strided_slice %dot_general3A_58 {offsets = [0, 0], sizes = [2048, 128], strides = [1, 1]} : vector<2048x256xf32> to vector<2048x128xf32>
    %slice3A_60 = vector.extract_strided_slice %dot_general3A_58 {offsets = [0, 128], sizes = [2048, 128], strides = [1, 1]} : vector<2048x256xf32> to vector<2048x128xf32>
    %max3A_61 = arith.maximumf %slice3A_59, %slice3A_60 : vector<2048x128xf32>
    %gt3A_62 = arith.cmpf ogt, %max3A_61, %select_n3A_49 : vector<2048x128xf32>
    %select_n3A_63 = arith.select %gt3A_62, %max3A_61, %select_n3A_49 : vector<2048x128xi1>, vector<2048x128xf32>
    %jit3A_64 = arith.constant 3 : i32
    %broadcast_in_dim3A_65 = vector.broadcast %jit3A_64 : i32 to vector<2048x128xi32>
    %select_n3A_66 = arith.select %gt3A_62, %broadcast_in_dim3A_65, %select_n3A_52 : vector<2048x128xi1>, vector<2048x128xi32>
    %select_n3A_67 = arith.select %gt3A_62, %slice3A_59, %select_n3A_53 : vector<2048x128xi1>, vector<2048x128xf32>
    %get3A_68 = arith.constant 1024 : index
    %get3A_69 = arith.constant 0 : index
    %get3A_70 = vector.load %arg6[%get3A_68, %get3A_69] : memref<8192x128xf32, #tpu.memory_space<vmem>>, vector<256x128xf32>
    %dot_general3A_71 = arith.constant dense<0.000000e+00> : vector<2048x256xf32>
    %dot_general3A_72 = tpu.matmul %concatenate3A, %get3A_70, %dot_general3A_71 {dimension_numbers = #tpu.dot_dimension_numbers<[1], [1], [0], [0], [0, 0, 1, 0], [], []>, transpose_lhs_hint = false} : vector<2048x128xf32>, vector<256x128xf32>, vector<2048x256xf32> -> vector<2048x256xf32>
    %slice3A_73 = vector.extract_strided_slice %dot_general3A_72 {offsets = [0, 0], sizes = [2048, 128], strides = [1, 1]} : vector<2048x256xf32> to vector<2048x128xf32>
    %slice3A_74 = vector.extract_strided_slice %dot_general3A_72 {offsets = [0, 128], sizes = [2048, 128], strides = [1, 1]} : vector<2048x256xf32> to vector<2048x128xf32>
    %max3A_75 = arith.maximumf %slice3A_73, %slice3A_74 : vector<2048x128xf32>
    %gt3A_76 = arith.cmpf ogt, %max3A_75, %select_n3A_63 : vector<2048x128xf32>
    %select_n3A_77 = arith.select %gt3A_76, %max3A_75, %select_n3A_63 : vector<2048x128xi1>, vector<2048x128xf32>
    %jit3A_78 = arith.constant 4 : i32
    %broadcast_in_dim3A_79 = vector.broadcast %jit3A_78 : i32 to vector<2048x128xi32>
    %select_n3A_80 = arith.select %gt3A_76, %broadcast_in_dim3A_79, %select_n3A_66 : vector<2048x128xi1>, vector<2048x128xi32>
    %select_n3A_81 = arith.select %gt3A_76, %slice3A_73, %select_n3A_67 : vector<2048x128xi1>, vector<2048x128xf32>
    %get3A_82 = arith.constant 1280 : index
    %get3A_83 = arith.constant 0 : index
    %get3A_84 = vector.load %arg6[%get3A_82, %get3A_83] : memref<8192x128xf32, #tpu.memory_space<vmem>>, vector<256x128xf32>
    %dot_general3A_85 = arith.constant dense<0.000000e+00> : vector<2048x256xf32>
    %dot_general3A_86 = tpu.matmul %concatenate3A, %get3A_84, %dot_general3A_85 {dimension_numbers = #tpu.dot_dimension_numbers<[1], [1], [0], [0], [0, 0, 1, 0], [], []>, transpose_lhs_hint = false} : vector<2048x128xf32>, vector<256x128xf32>, vector<2048x256xf32> -> vector<2048x256xf32>
    %slice3A_87 = vector.extract_strided_slice %dot_general3A_86 {offsets = [0, 0], sizes = [2048, 128], strides = [1, 1]} : vector<2048x256xf32> to vector<2048x128xf32>
    %slice3A_88 = vector.extract_strided_slice %dot_general3A_86 {offsets = [0, 128], sizes = [2048, 128], strides = [1, 1]} : vector<2048x256xf32> to vector<2048x128xf32>
    %max3A_89 = arith.maximumf %slice3A_87, %slice3A_88 : vector<2048x128xf32>
    %gt3A_90 = arith.cmpf ogt, %max3A_89, %select_n3A_77 : vector<2048x128xf32>
    %select_n3A_91 = arith.select %gt3A_90, %max3A_89, %select_n3A_77 : vector<2048x128xi1>, vector<2048x128xf32>
    %jit3A_92 = arith.constant 5 : i32
    %broadcast_in_dim3A_93 = vector.broadcast %jit3A_92 : i32 to vector<2048x128xi32>
    %select_n3A_94 = arith.select %gt3A_90, %broadcast_in_dim3A_93, %select_n3A_80 : vector<2048x128xi1>, vector<2048x128xi32>
    %select_n3A_95 = arith.select %gt3A_90, %slice3A_87, %select_n3A_81 : vector<2048x128xi1>, vector<2048x128xf32>
    %get3A_96 = arith.constant 1536 : index
    %get3A_97 = arith.constant 0 : index
    %get3A_98 = vector.load %arg6[%get3A_96, %get3A_97] : memref<8192x128xf32, #tpu.memory_space<vmem>>, vector<256x128xf32>
    %dot_general3A_99 = arith.constant dense<0.000000e+00> : vector<2048x256xf32>
    %dot_general3A_100 = tpu.matmul %concatenate3A, %get3A_98, %dot_general3A_99 {dimension_numbers = #tpu.dot_dimension_numbers<[1], [1], [0], [0], [0, 0, 1, 0], [], []>, transpose_lhs_hint = false} : vector<2048x128xf32>, vector<256x128xf32>, vector<2048x256xf32> -> vector<2048x256xf32>
    %slice3A_101 = vector.extract_strided_slice %dot_general3A_100 {offsets = [0, 0], sizes = [2048, 128], strides = [1, 1]} : vector<2048x256xf32> to vector<2048x128xf32>
    %slice3A_102 = vector.extract_strided_slice %dot_general3A_100 {offsets = [0, 128], sizes = [2048, 128], strides = [1, 1]} : vector<2048x256xf32> to vector<2048x128xf32>
    %max3A_103 = arith.maximumf %slice3A_101, %slice3A_102 : vector<2048x128xf32>
    %gt3A_104 = arith.cmpf ogt, %max3A_103, %select_n3A_91 : vector<2048x128xf32>
    %select_n3A_105 = arith.select %gt3A_104, %max3A_103, %select_n3A_91 : vector<2048x128xi1>, vector<2048x128xf32>
    %jit3A_106 = arith.constant 6 : i32
    %broadcast_in_dim3A_107 = vector.broadcast %jit3A_106 : i32 to vector<2048x128xi32>
    %select_n3A_108 = arith.select %gt3A_104, %broadcast_in_dim3A_107, %select_n3A_94 : vector<2048x128xi1>, vector<2048x128xi32>
    %select_n3A_109 = arith.select %gt3A_104, %slice3A_101, %select_n3A_95 : vector<2048x128xi1>, vector<2048x128xf32>
    %get3A_110 = arith.constant 1792 : index
    %get3A_111 = arith.constant 0 : index
    %get3A_112 = vector.load %arg6[%get3A_110, %get3A_111] : memref<8192x128xf32, #tpu.memory_space<vmem>>, vector<256x128xf32>
    %dot_general3A_113 = arith.constant dense<0.000000e+00> : vector<2048x256xf32>
    %dot_general3A_114 = tpu.matmul %concatenate3A, %get3A_112, %dot_general3A_113 {dimension_numbers = #tpu.dot_dimension_numbers<[1], [1], [0], [0], [0, 0, 1, 0], [], []>, transpose_lhs_hint = false} : vector<2048x128xf32>, vector<256x128xf32>, vector<2048x256xf32> -> vector<2048x256xf32>
    %slice3A_115 = vector.extract_strided_slice %dot_general3A_114 {offsets = [0, 0], sizes = [2048, 128], strides = [1, 1]} : vector<2048x256xf32> to vector<2048x128xf32>
    %slice3A_116 = vector.extract_strided_slice %dot_general3A_114 {offsets = [0, 128], sizes = [2048, 128], strides = [1, 1]} : vector<2048x256xf32> to vector<2048x128xf32>
    %max3A_117 = arith.maximumf %slice3A_115, %slice3A_116 : vector<2048x128xf32>
    %gt3A_118 = arith.cmpf ogt, %max3A_117, %select_n3A_105 : vector<2048x128xf32>
    %select_n3A_119 = arith.select %gt3A_118, %max3A_117, %select_n3A_105 : vector<2048x128xi1>, vector<2048x128xf32>
    %jit3A_120 = arith.constant 7 : i32
    %broadcast_in_dim3A_121 = vector.broadcast %jit3A_120 : i32 to vector<2048x128xi32>
    %select_n3A_122 = arith.select %gt3A_118, %broadcast_in_dim3A_121, %select_n3A_108 : vector<2048x128xi1>, vector<2048x128xi32>
    %select_n3A_123 = arith.select %gt3A_118, %slice3A_115, %select_n3A_109 : vector<2048x128xi1>, vector<2048x128xf32>
    %get3A_124 = arith.constant 2048 : index
    %get3A_125 = arith.constant 0 : index
    %get3A_126 = vector.load %arg6[%get3A_124, %get3A_125] : memref<8192x128xf32, #tpu.memory_space<vmem>>, vector<256x128xf32>
    %dot_general3A_127 = arith.constant dense<0.000000e+00> : vector<2048x256xf32>
    %dot_general3A_128 = tpu.matmul %concatenate3A, %get3A_126, %dot_general3A_127 {dimension_numbers = #tpu.dot_dimension_numbers<[1], [1], [0], [0], [0, 0, 1, 0], [], []>, transpose_lhs_hint = false} : vector<2048x128xf32>, vector<256x128xf32>, vector<2048x256xf32> -> vector<2048x256xf32>
    %slice3A_129 = vector.extract_strided_slice %dot_general3A_128 {offsets = [0, 0], sizes = [2048, 128], strides = [1, 1]} : vector<2048x256xf32> to vector<2048x128xf32>
    %slice3A_130 = vector.extract_strided_slice %dot_general3A_128 {offsets = [0, 128], sizes = [2048, 128], strides = [1, 1]} : vector<2048x256xf32> to vector<2048x128xf32>
    %max3A_131 = arith.maximumf %slice3A_129, %slice3A_130 : vector<2048x128xf32>
    %gt3A_132 = arith.cmpf ogt, %max3A_131, %select_n3A_119 : vector<2048x128xf32>
    %select_n3A_133 = arith.select %gt3A_132, %max3A_131, %select_n3A_119 : vector<2048x128xi1>, vector<2048x128xf32>
    %jit3A_134 = arith.constant 8 : i32
    %broadcast_in_dim3A_135 = vector.broadcast %jit3A_134 : i32 to vector<2048x128xi32>
    %select_n3A_136 = arith.select %gt3A_132, %broadcast_in_dim3A_135, %select_n3A_122 : vector<2048x128xi1>, vector<2048x128xi32>
    %select_n3A_137 = arith.select %gt3A_132, %slice3A_129, %select_n3A_123 : vector<2048x128xi1>, vector<2048x128xf32>
    %get3A_138 = arith.constant 2304 : index
    %get3A_139 = arith.constant 0 : index
    %get3A_140 = vector.load %arg6[%get3A_138, %get3A_139] : memref<8192x128xf32, #tpu.memory_space<vmem>>, vector<256x128xf32>
    %dot_general3A_141 = arith.constant dense<0.000000e+00> : vector<2048x256xf32>
    %dot_general3A_142 = tpu.matmul %concatenate3A, %get3A_140, %dot_general3A_141 {dimension_numbers = #tpu.dot_dimension_numbers<[1], [1], [0], [0], [0, 0, 1, 0], [], []>, transpose_lhs_hint = false} : vector<2048x128xf32>, vector<256x128xf32>, vector<2048x256xf32> -> vector<2048x256xf32>
    %slice3A_143 = vector.extract_strided_slice %dot_general3A_142 {offsets = [0, 0], sizes = [2048, 128], strides = [1, 1]} : vector<2048x256xf32> to vector<2048x128xf32>
    %slice3A_144 = vector.extract_strided_slice %dot_general3A_142 {offsets = [0, 128], sizes = [2048, 128], strides = [1, 1]} : vector<2048x256xf32> to vector<2048x128xf32>
    %max3A_145 = arith.maximumf %slice3A_143, %slice3A_144 : vector<2048x128xf32>
    %gt3A_146 = arith.cmpf ogt, %max3A_145, %select_n3A_133 : vector<2048x128xf32>
    %select_n3A_147 = arith.select %gt3A_146, %max3A_145, %select_n3A_133 : vector<2048x128xi1>, vector<2048x128xf32>
    %jit3A_148 = arith.constant 9 : i32
    %broadcast_in_dim3A_149 = vector.broadcast %jit3A_148 : i32 to vector<2048x128xi32>
    %select_n3A_150 = arith.select %gt3A_146, %broadcast_in_dim3A_149, %select_n3A_136 : vector<2048x128xi1>, vector<2048x128xi32>
    %select_n3A_151 = arith.select %gt3A_146, %slice3A_143, %select_n3A_137 : vector<2048x128xi1>, vector<2048x128xf32>
    %get3A_152 = arith.constant 2560 : index
    %get3A_153 = arith.constant 0 : index
    %get3A_154 = vector.load %arg6[%get3A_152, %get3A_153] : memref<8192x128xf32, #tpu.memory_space<vmem>>, vector<256x128xf32>
    %dot_general3A_155 = arith.constant dense<0.000000e+00> : vector<2048x256xf32>
    %dot_general3A_156 = tpu.matmul %concatenate3A, %get3A_154, %dot_general3A_155 {dimension_numbers = #tpu.dot_dimension_numbers<[1], [1], [0], [0], [0, 0, 1, 0], [], []>, transpose_lhs_hint = false} : vector<2048x128xf32>, vector<256x128xf32>, vector<2048x256xf32> -> vector<2048x256xf32>
    %slice3A_157 = vector.extract_strided_slice %dot_general3A_156 {offsets = [0, 0], sizes = [2048, 128], strides = [1, 1]} : vector<2048x256xf32> to vector<2048x128xf32>
    %slice3A_158 = vector.extract_strided_slice %dot_general3A_156 {offsets = [0, 128], sizes = [2048, 128], strides = [1, 1]} : vector<2048x256xf32> to vector<2048x128xf32>
    %max3A_159 = arith.maximumf %slice3A_157, %slice3A_158 : vector<2048x128xf32>
    %gt3A_160 = arith.cmpf ogt, %max3A_159, %select_n3A_147 : vector<2048x128xf32>
    %select_n3A_161 = arith.select %gt3A_160, %max3A_159, %select_n3A_147 : vector<2048x128xi1>, vector<2048x128xf32>
    %jit3A_162 = arith.constant 10 : i32
    %broadcast_in_dim3A_163 = vector.broadcast %jit3A_162 : i32 to vector<2048x128xi32>
    %select_n3A_164 = arith.select %gt3A_160, %broadcast_in_dim3A_163, %select_n3A_150 : vector<2048x128xi1>, vector<2048x128xi32>
    %select_n3A_165 = arith.select %gt3A_160, %slice3A_157, %select_n3A_151 : vector<2048x128xi1>, vector<2048x128xf32>
    %get3A_166 = arith.constant 2816 : index
    %get3A_167 = arith.constant 0 : index
    %get3A_168 = vector.load %arg6[%get3A_166, %get3A_167] : memref<8192x128xf32, #tpu.memory_space<vmem>>, vector<256x128xf32>
    %dot_general3A_169 = arith.constant dense<0.000000e+00> : vector<2048x256xf32>
    %dot_general3A_170 = tpu.matmul %concatenate3A, %get3A_168, %dot_general3A_169 {dimension_numbers = #tpu.dot_dimension_numbers<[1], [1], [0], [0], [0, 0, 1, 0], [], []>, transpose_lhs_hint = false} : vector<2048x128xf32>, vector<256x128xf32>, vector<2048x256xf32> -> vector<2048x256xf32>
    %slice3A_171 = vector.extract_strided_slice %dot_general3A_170 {offsets = [0, 0], sizes = [2048, 128], strides = [1, 1]} : vector<2048x256xf32> to vector<2048x128xf32>
    %slice3A_172 = vector.extract_strided_slice %dot_general3A_170 {offsets = [0, 128], sizes = [2048, 128], strides = [1, 1]} : vector<2048x256xf32> to vector<2048x128xf32>
    %max3A_173 = arith.maximumf %slice3A_171, %slice3A_172 : vector<2048x128xf32>
    %gt3A_174 = arith.cmpf ogt, %max3A_173, %select_n3A_161 : vector<2048x128xf32>
    %select_n3A_175 = arith.select %gt3A_174, %max3A_173, %select_n3A_161 : vector<2048x128xi1>, vector<2048x128xf32>
    %jit3A_176 = arith.constant 11 : i32
    %broadcast_in_dim3A_177 = vector.broadcast %jit3A_176 : i32 to vector<2048x128xi32>
    %select_n3A_178 = arith.select %gt3A_174, %broadcast_in_dim3A_177, %select_n3A_164 : vector<2048x128xi1>, vector<2048x128xi32>
    %select_n3A_179 = arith.select %gt3A_174, %slice3A_171, %select_n3A_165 : vector<2048x128xi1>, vector<2048x128xf32>
    %get3A_180 = arith.constant 3072 : index
    %get3A_181 = arith.constant 0 : index
    %get3A_182 = vector.load %arg6[%get3A_180, %get3A_181] : memref<8192x128xf32, #tpu.memory_space<vmem>>, vector<256x128xf32>
    %dot_general3A_183 = arith.constant dense<0.000000e+00> : vector<2048x256xf32>
    %dot_general3A_184 = tpu.matmul %concatenate3A, %get3A_182, %dot_general3A_183 {dimension_numbers = #tpu.dot_dimension_numbers<[1], [1], [0], [0], [0, 0, 1, 0], [], []>, transpose_lhs_hint = false} : vector<2048x128xf32>, vector<256x128xf32>, vector<2048x256xf32> -> vector<2048x256xf32>
    %slice3A_185 = vector.extract_strided_slice %dot_general3A_184 {offsets = [0, 0], sizes = [2048, 128], strides = [1, 1]} : vector<2048x256xf32> to vector<2048x128xf32>
    %slice3A_186 = vector.extract_strided_slice %dot_general3A_184 {offsets = [0, 128], sizes = [2048, 128], strides = [1, 1]} : vector<2048x256xf32> to vector<2048x128xf32>
    %max3A_187 = arith.maximumf %slice3A_185, %slice3A_186 : vector<2048x128xf32>
    %gt3A_188 = arith.cmpf ogt, %max3A_187, %select_n3A_175 : vector<2048x128xf32>
    %select_n3A_189 = arith.select %gt3A_188, %max3A_187, %select_n3A_175 : vector<2048x128xi1>, vector<2048x128xf32>
    %jit3A_190 = arith.constant 12 : i32
    %broadcast_in_dim3A_191 = vector.broadcast %jit3A_190 : i32 to vector<2048x128xi32>
    %select_n3A_192 = arith.select %gt3A_188, %broadcast_in_dim3A_191, %select_n3A_178 : vector<2048x128xi1>, vector<2048x128xi32>
    %select_n3A_193 = arith.select %gt3A_188, %slice3A_185, %select_n3A_179 : vector<2048x128xi1>, vector<2048x128xf32>
    %get3A_194 = arith.constant 3328 : index
    %get3A_195 = arith.constant 0 : index
    %get3A_196 = vector.load %arg6[%get3A_194, %get3A_195] : memref<8192x128xf32, #tpu.memory_space<vmem>>, vector<256x128xf32>
    %dot_general3A_197 = arith.constant dense<0.000000e+00> : vector<2048x256xf32>
    %dot_general3A_198 = tpu.matmul %concatenate3A, %get3A_196, %dot_general3A_197 {dimension_numbers = #tpu.dot_dimension_numbers<[1], [1], [0], [0], [0, 0, 1, 0], [], []>, transpose_lhs_hint = false} : vector<2048x128xf32>, vector<256x128xf32>, vector<2048x256xf32> -> vector<2048x256xf32>
    %slice3A_199 = vector.extract_strided_slice %dot_general3A_198 {offsets = [0, 0], sizes = [2048, 128], strides = [1, 1]} : vector<2048x256xf32> to vector<2048x128xf32>
    %slice3A_200 = vector.extract_strided_slice %dot_general3A_198 {offsets = [0, 128], sizes = [2048, 128], strides = [1, 1]} : vector<2048x256xf32> to vector<2048x128xf32>
    %max3A_201 = arith.maximumf %slice3A_199, %slice3A_200 : vector<2048x128xf32>
    %gt3A_202 = arith.cmpf ogt, %max3A_201, %select_n3A_189 : vector<2048x128xf32>
    %select_n3A_203 = arith.select %gt3A_202, %max3A_201, %select_n3A_189 : vector<2048x128xi1>, vector<2048x128xf32>
    %jit3A_204 = arith.constant 13 : i32
    %broadcast_in_dim3A_205 = vector.broadcast %jit3A_204 : i32 to vector<2048x128xi32>
    %select_n3A_206 = arith.select %gt3A_202, %broadcast_in_dim3A_205, %select_n3A_192 : vector<2048x128xi1>, vector<2048x128xi32>
    %select_n3A_207 = arith.select %gt3A_202, %slice3A_199, %select_n3A_193 : vector<2048x128xi1>, vector<2048x128xf32>
    %get3A_208 = arith.constant 3584 : index
    %get3A_209 = arith.constant 0 : index
    %get3A_210 = vector.load %arg6[%get3A_208, %get3A_209] : memref<8192x128xf32, #tpu.memory_space<vmem>>, vector<256x128xf32>
    %dot_general3A_211 = arith.constant dense<0.000000e+00> : vector<2048x256xf32>
    %dot_general3A_212 = tpu.matmul %concatenate3A, %get3A_210, %dot_general3A_211 {dimension_numbers = #tpu.dot_dimension_numbers<[1], [1], [0], [0], [0, 0, 1, 0], [], []>, transpose_lhs_hint = false} : vector<2048x128xf32>, vector<256x128xf32>, vector<2048x256xf32> -> vector<2048x256xf32>
    %slice3A_213 = vector.extract_strided_slice %dot_general3A_212 {offsets = [0, 0], sizes = [2048, 128], strides = [1, 1]} : vector<2048x256xf32> to vector<2048x128xf32>
    %slice3A_214 = vector.extract_strided_slice %dot_general3A_212 {offsets = [0, 128], sizes = [2048, 128], strides = [1, 1]} : vector<2048x256xf32> to vector<2048x128xf32>
    %max3A_215 = arith.maximumf %slice3A_213, %slice3A_214 : vector<2048x128xf32>
    %gt3A_216 = arith.cmpf ogt, %max3A_215, %select_n3A_203 : vector<2048x128xf32>
    %select_n3A_217 = arith.select %gt3A_216, %max3A_215, %select_n3A_203 : vector<2048x128xi1>, vector<2048x128xf32>
    %jit3A_218 = arith.constant 14 : i32
    %broadcast_in_dim3A_219 = vector.broadcast %jit3A_218 : i32 to vector<2048x128xi32>
    %select_n3A_220 = arith.select %gt3A_216, %broadcast_in_dim3A_219, %select_n3A_206 : vector<2048x128xi1>, vector<2048x128xi32>
    %select_n3A_221 = arith.select %gt3A_216, %slice3A_213, %select_n3A_207 : vector<2048x128xi1>, vector<2048x128xf32>
    %get3A_222 = arith.constant 3840 : index
    %get3A_223 = arith.constant 0 : index
    %get3A_224 = vector.load %arg6[%get3A_222, %get3A_223] : memref<8192x128xf32, #tpu.memory_space<vmem>>, vector<256x128xf32>
    %dot_general3A_225 = arith.constant dense<0.000000e+00> : vector<2048x256xf32>
    %dot_general3A_226 = tpu.matmul %concatenate3A, %get3A_224, %dot_general3A_225 {dimension_numbers = #tpu.dot_dimension_numbers<[1], [1], [0], [0], [0, 0, 1, 0], [], []>, transpose_lhs_hint = false} : vector<2048x128xf32>, vector<256x128xf32>, vector<2048x256xf32> -> vector<2048x256xf32>
    %slice3A_227 = vector.extract_strided_slice %dot_general3A_226 {offsets = [0, 0], sizes = [2048, 128], strides = [1, 1]} : vector<2048x256xf32> to vector<2048x128xf32>
    %slice3A_228 = vector.extract_strided_slice %dot_general3A_226 {offsets = [0, 128], sizes = [2048, 128], strides = [1, 1]} : vector<2048x256xf32> to vector<2048x128xf32>
    %max3A_229 = arith.maximumf %slice3A_227, %slice3A_228 : vector<2048x128xf32>
    %gt3A_230 = arith.cmpf ogt, %max3A_229, %select_n3A_217 : vector<2048x128xf32>
    %select_n3A_231 = arith.select %gt3A_230, %max3A_229, %select_n3A_217 : vector<2048x128xi1>, vector<2048x128xf32>
    %jit3A_232 = arith.constant 15 : i32
    %broadcast_in_dim3A_233 = vector.broadcast %jit3A_232 : i32 to vector<2048x128xi32>
    %select_n3A_234 = arith.select %gt3A_230, %broadcast_in_dim3A_233, %select_n3A_220 : vector<2048x128xi1>, vector<2048x128xi32>
    %select_n3A_235 = arith.select %gt3A_230, %slice3A_227, %select_n3A_221 : vector<2048x128xi1>, vector<2048x128xf32>
    %get3A_236 = arith.constant 4096 : index
    %get3A_237 = arith.constant 0 : index
    %get3A_238 = vector.load %arg6[%get3A_236, %get3A_237] : memref<8192x128xf32, #tpu.memory_space<vmem>>, vector<256x128xf32>
    %dot_general3A_239 = arith.constant dense<0.000000e+00> : vector<2048x256xf32>
    %dot_general3A_240 = tpu.matmul %concatenate3A, %get3A_238, %dot_general3A_239 {dimension_numbers = #tpu.dot_dimension_numbers<[1], [1], [0], [0], [0, 0, 1, 0], [], []>, transpose_lhs_hint = false} : vector<2048x128xf32>, vector<256x128xf32>, vector<2048x256xf32> -> vector<2048x256xf32>
    %slice3A_241 = vector.extract_strided_slice %dot_general3A_240 {offsets = [0, 0], sizes = [2048, 128], strides = [1, 1]} : vector<2048x256xf32> to vector<2048x128xf32>
    %slice3A_242 = vector.extract_strided_slice %dot_general3A_240 {offsets = [0, 128], sizes = [2048, 128], strides = [1, 1]} : vector<2048x256xf32> to vector<2048x128xf32>
    %max3A_243 = arith.maximumf %slice3A_241, %slice3A_242 : vector<2048x128xf32>
    %gt3A_244 = arith.cmpf ogt, %max3A_243, %select_n3A_231 : vector<2048x128xf32>
    %select_n3A_245 = arith.select %gt3A_244, %max3A_243, %select_n3A_231 : vector<2048x128xi1>, vector<2048x128xf32>
    %jit3A_246 = arith.constant 16 : i32
    %broadcast_in_dim3A_247 = vector.broadcast %jit3A_246 : i32 to vector<2048x128xi32>
    %select_n3A_248 = arith.select %gt3A_244, %broadcast_in_dim3A_247, %select_n3A_234 : vector<2048x128xi1>, vector<2048x128xi32>
    %select_n3A_249 = arith.select %gt3A_244, %slice3A_241, %select_n3A_235 : vector<2048x128xi1>, vector<2048x128xf32>
    %get3A_250 = arith.constant 4352 : index
    %get3A_251 = arith.constant 0 : index
    %get3A_252 = vector.load %arg6[%get3A_250, %get3A_251] : memref<8192x128xf32, #tpu.memory_space<vmem>>, vector<256x128xf32>
    %dot_general3A_253 = arith.constant dense<0.000000e+00> : vector<2048x256xf32>
    %dot_general3A_254 = tpu.matmul %concatenate3A, %get3A_252, %dot_general3A_253 {dimension_numbers = #tpu.dot_dimension_numbers<[1], [1], [0], [0], [0, 0, 1, 0], [], []>, transpose_lhs_hint = false} : vector<2048x128xf32>, vector<256x128xf32>, vector<2048x256xf32> -> vector<2048x256xf32>
    %slice3A_255 = vector.extract_strided_slice %dot_general3A_254 {offsets = [0, 0], sizes = [2048, 128], strides = [1, 1]} : vector<2048x256xf32> to vector<2048x128xf32>
    %slice3A_256 = vector.extract_strided_slice %dot_general3A_254 {offsets = [0, 128], sizes = [2048, 128], strides = [1, 1]} : vector<2048x256xf32> to vector<2048x128xf32>
    %max3A_257 = arith.maximumf %slice3A_255, %slice3A_256 : vector<2048x128xf32>
    %gt3A_258 = arith.cmpf ogt, %max3A_257, %select_n3A_245 : vector<2048x128xf32>
    %select_n3A_259 = arith.select %gt3A_258, %max3A_257, %select_n3A_245 : vector<2048x128xi1>, vector<2048x128xf32>
    %jit3A_260 = arith.constant 17 : i32
    %broadcast_in_dim3A_261 = vector.broadcast %jit3A_260 : i32 to vector<2048x128xi32>
    %select_n3A_262 = arith.select %gt3A_258, %broadcast_in_dim3A_261, %select_n3A_248 : vector<2048x128xi1>, vector<2048x128xi32>
    %select_n3A_263 = arith.select %gt3A_258, %slice3A_255, %select_n3A_249 : vector<2048x128xi1>, vector<2048x128xf32>
    %get3A_264 = arith.constant 4608 : index
    %get3A_265 = arith.constant 0 : index
    %get3A_266 = vector.load %arg6[%get3A_264, %get3A_265] : memref<8192x128xf32, #tpu.memory_space<vmem>>, vector<256x128xf32>
    %dot_general3A_267 = arith.constant dense<0.000000e+00> : vector<2048x256xf32>
    %dot_general3A_268 = tpu.matmul %concatenate3A, %get3A_266, %dot_general3A_267 {dimension_numbers = #tpu.dot_dimension_numbers<[1], [1], [0], [0], [0, 0, 1, 0], [], []>, transpose_lhs_hint = false} : vector<2048x128xf32>, vector<256x128xf32>, vector<2048x256xf32> -> vector<2048x256xf32>
    %slice3A_269 = vector.extract_strided_slice %dot_general3A_268 {offsets = [0, 0], sizes = [2048, 128], strides = [1, 1]} : vector<2048x256xf32> to vector<2048x128xf32>
    %slice3A_270 = vector.extract_strided_slice %dot_general3A_268 {offsets = [0, 128], sizes = [2048, 128], strides = [1, 1]} : vector<2048x256xf32> to vector<2048x128xf32>
    %max3A_271 = arith.maximumf %slice3A_269, %slice3A_270 : vector<2048x128xf32>
    %gt3A_272 = arith.cmpf ogt, %max3A_271, %select_n3A_259 : vector<2048x128xf32>
    %select_n3A_273 = arith.select %gt3A_272, %max3A_271, %select_n3A_259 : vector<2048x128xi1>, vector<2048x128xf32>
    %jit3A_274 = arith.constant 18 : i32
    %broadcast_in_dim3A_275 = vector.broadcast %jit3A_274 : i32 to vector<2048x128xi32>
    %select_n3A_276 = arith.select %gt3A_272, %broadcast_in_dim3A_275, %select_n3A_262 : vector<2048x128xi1>, vector<2048x128xi32>
    %select_n3A_277 = arith.select %gt3A_272, %slice3A_269, %select_n3A_263 : vector<2048x128xi1>, vector<2048x128xf32>
    %get3A_278 = arith.constant 4864 : index
    %get3A_279 = arith.constant 0 : index
    %get3A_280 = vector.load %arg6[%get3A_278, %get3A_279] : memref<8192x128xf32, #tpu.memory_space<vmem>>, vector<256x128xf32>
    %dot_general3A_281 = arith.constant dense<0.000000e+00> : vector<2048x256xf32>
    %dot_general3A_282 = tpu.matmul %concatenate3A, %get3A_280, %dot_general3A_281 {dimension_numbers = #tpu.dot_dimension_numbers<[1], [1], [0], [0], [0, 0, 1, 0], [], []>, transpose_lhs_hint = false} : vector<2048x128xf32>, vector<256x128xf32>, vector<2048x256xf32> -> vector<2048x256xf32>
    %slice3A_283 = vector.extract_strided_slice %dot_general3A_282 {offsets = [0, 0], sizes = [2048, 128], strides = [1, 1]} : vector<2048x256xf32> to vector<2048x128xf32>
    %slice3A_284 = vector.extract_strided_slice %dot_general3A_282 {offsets = [0, 128], sizes = [2048, 128], strides = [1, 1]} : vector<2048x256xf32> to vector<2048x128xf32>
    %max3A_285 = arith.maximumf %slice3A_283, %slice3A_284 : vector<2048x128xf32>
    %gt3A_286 = arith.cmpf ogt, %max3A_285, %select_n3A_273 : vector<2048x128xf32>
    %select_n3A_287 = arith.select %gt3A_286, %max3A_285, %select_n3A_273 : vector<2048x128xi1>, vector<2048x128xf32>
    %jit3A_288 = arith.constant 19 : i32
    %broadcast_in_dim3A_289 = vector.broadcast %jit3A_288 : i32 to vector<2048x128xi32>
    %select_n3A_290 = arith.select %gt3A_286, %broadcast_in_dim3A_289, %select_n3A_276 : vector<2048x128xi1>, vector<2048x128xi32>
    %select_n3A_291 = arith.select %gt3A_286, %slice3A_283, %select_n3A_277 : vector<2048x128xi1>, vector<2048x128xf32>
    %get3A_292 = arith.constant 5120 : index
    %get3A_293 = arith.constant 0 : index
    %get3A_294 = vector.load %arg6[%get3A_292, %get3A_293] : memref<8192x128xf32, #tpu.memory_space<vmem>>, vector<256x128xf32>
    %dot_general3A_295 = arith.constant dense<0.000000e+00> : vector<2048x256xf32>
    %dot_general3A_296 = tpu.matmul %concatenate3A, %get3A_294, %dot_general3A_295 {dimension_numbers = #tpu.dot_dimension_numbers<[1], [1], [0], [0], [0, 0, 1, 0], [], []>, transpose_lhs_hint = false} : vector<2048x128xf32>, vector<256x128xf32>, vector<2048x256xf32> -> vector<2048x256xf32>
    %slice3A_297 = vector.extract_strided_slice %dot_general3A_296 {offsets = [0, 0], sizes = [2048, 128], strides = [1, 1]} : vector<2048x256xf32> to vector<2048x128xf32>
    %slice3A_298 = vector.extract_strided_slice %dot_general3A_296 {offsets = [0, 128], sizes = [2048, 128], strides = [1, 1]} : vector<2048x256xf32> to vector<2048x128xf32>
    %max3A_299 = arith.maximumf %slice3A_297, %slice3A_298 : vector<2048x128xf32>
    %gt3A_300 = arith.cmpf ogt, %max3A_299, %select_n3A_287 : vector<2048x128xf32>
    %select_n3A_301 = arith.select %gt3A_300, %max3A_299, %select_n3A_287 : vector<2048x128xi1>, vector<2048x128xf32>
    %jit3A_302 = arith.constant 20 : i32
    %broadcast_in_dim3A_303 = vector.broadcast %jit3A_302 : i32 to vector<2048x128xi32>
    %select_n3A_304 = arith.select %gt3A_300, %broadcast_in_dim3A_303, %select_n3A_290 : vector<2048x128xi1>, vector<2048x128xi32>
    %select_n3A_305 = arith.select %gt3A_300, %slice3A_297, %select_n3A_291 : vector<2048x128xi1>, vector<2048x128xf32>
    %get3A_306 = arith.constant 5376 : index
    %get3A_307 = arith.constant 0 : index
    %get3A_308 = vector.load %arg6[%get3A_306, %get3A_307] : memref<8192x128xf32, #tpu.memory_space<vmem>>, vector<256x128xf32>
    %dot_general3A_309 = arith.constant dense<0.000000e+00> : vector<2048x256xf32>
    %dot_general3A_310 = tpu.matmul %concatenate3A, %get3A_308, %dot_general3A_309 {dimension_numbers = #tpu.dot_dimension_numbers<[1], [1], [0], [0], [0, 0, 1, 0], [], []>, transpose_lhs_hint = false} : vector<2048x128xf32>, vector<256x128xf32>, vector<2048x256xf32> -> vector<2048x256xf32>
    %slice3A_311 = vector.extract_strided_slice %dot_general3A_310 {offsets = [0, 0], sizes = [2048, 128], strides = [1, 1]} : vector<2048x256xf32> to vector<2048x128xf32>
    %slice3A_312 = vector.extract_strided_slice %dot_general3A_310 {offsets = [0, 128], sizes = [2048, 128], strides = [1, 1]} : vector<2048x256xf32> to vector<2048x128xf32>
    %max3A_313 = arith.maximumf %slice3A_311, %slice3A_312 : vector<2048x128xf32>
    %gt3A_314 = arith.cmpf ogt, %max3A_313, %select_n3A_301 : vector<2048x128xf32>
    %select_n3A_315 = arith.select %gt3A_314, %max3A_313, %select_n3A_301 : vector<2048x128xi1>, vector<2048x128xf32>
    %jit3A_316 = arith.constant 21 : i32
    %broadcast_in_dim3A_317 = vector.broadcast %jit3A_316 : i32 to vector<2048x128xi32>
    %select_n3A_318 = arith.select %gt3A_314, %broadcast_in_dim3A_317, %select_n3A_304 : vector<2048x128xi1>, vector<2048x128xi32>
    %select_n3A_319 = arith.select %gt3A_314, %slice3A_311, %select_n3A_305 : vector<2048x128xi1>, vector<2048x128xf32>
    %get3A_320 = arith.constant 5632 : index
    %get3A_321 = arith.constant 0 : index
    %get3A_322 = vector.load %arg6[%get3A_320, %get3A_321] : memref<8192x128xf32, #tpu.memory_space<vmem>>, vector<256x128xf32>
    %dot_general3A_323 = arith.constant dense<0.000000e+00> : vector<2048x256xf32>
    %dot_general3A_324 = tpu.matmul %concatenate3A, %get3A_322, %dot_general3A_323 {dimension_numbers = #tpu.dot_dimension_numbers<[1], [1], [0], [0], [0, 0, 1, 0], [], []>, transpose_lhs_hint = false} : vector<2048x128xf32>, vector<256x128xf32>, vector<2048x256xf32> -> vector<2048x256xf32>
    %slice3A_325 = vector.extract_strided_slice %dot_general3A_324 {offsets = [0, 0], sizes = [2048, 128], strides = [1, 1]} : vector<2048x256xf32> to vector<2048x128xf32>
    %slice3A_326 = vector.extract_strided_slice %dot_general3A_324 {offsets = [0, 128], sizes = [2048, 128], strides = [1, 1]} : vector<2048x256xf32> to vector<2048x128xf32>
    %max3A_327 = arith.maximumf %slice3A_325, %slice3A_326 : vector<2048x128xf32>
    %gt3A_328 = arith.cmpf ogt, %max3A_327, %select_n3A_315 : vector<2048x128xf32>
    %select_n3A_329 = arith.select %gt3A_328, %max3A_327, %select_n3A_315 : vector<2048x128xi1>, vector<2048x128xf32>
    %jit3A_330 = arith.constant 22 : i32
    %broadcast_in_dim3A_331 = vector.broadcast %jit3A_330 : i32 to vector<2048x128xi32>
    %select_n3A_332 = arith.select %gt3A_328, %broadcast_in_dim3A_331, %select_n3A_318 : vector<2048x128xi1>, vector<2048x128xi32>
    %select_n3A_333 = arith.select %gt3A_328, %slice3A_325, %select_n3A_319 : vector<2048x128xi1>, vector<2048x128xf32>
    %get3A_334 = arith.constant 5888 : index
    %get3A_335 = arith.constant 0 : index
    %get3A_336 = vector.load %arg6[%get3A_334, %get3A_335] : memref<8192x128xf32, #tpu.memory_space<vmem>>, vector<256x128xf32>
    %dot_general3A_337 = arith.constant dense<0.000000e+00> : vector<2048x256xf32>
    %dot_general3A_338 = tpu.matmul %concatenate3A, %get3A_336, %dot_general3A_337 {dimension_numbers = #tpu.dot_dimension_numbers<[1], [1], [0], [0], [0, 0, 1, 0], [], []>, transpose_lhs_hint = false} : vector<2048x128xf32>, vector<256x128xf32>, vector<2048x256xf32> -> vector<2048x256xf32>
    %slice3A_339 = vector.extract_strided_slice %dot_general3A_338 {offsets = [0, 0], sizes = [2048, 128], strides = [1, 1]} : vector<2048x256xf32> to vector<2048x128xf32>
    %slice3A_340 = vector.extract_strided_slice %dot_general3A_338 {offsets = [0, 128], sizes = [2048, 128], strides = [1, 1]} : vector<2048x256xf32> to vector<2048x128xf32>
    %max3A_341 = arith.maximumf %slice3A_339, %slice3A_340 : vector<2048x128xf32>
    %gt3A_342 = arith.cmpf ogt, %max3A_341, %select_n3A_329 : vector<2048x128xf32>
    %select_n3A_343 = arith.select %gt3A_342, %max3A_341, %select_n3A_329 : vector<2048x128xi1>, vector<2048x128xf32>
    %jit3A_344 = arith.constant 23 : i32
    %broadcast_in_dim3A_345 = vector.broadcast %jit3A_344 : i32 to vector<2048x128xi32>
    %select_n3A_346 = arith.select %gt3A_342, %broadcast_in_dim3A_345, %select_n3A_332 : vector<2048x128xi1>, vector<2048x128xi32>
    %select_n3A_347 = arith.select %gt3A_342, %slice3A_339, %select_n3A_333 : vector<2048x128xi1>, vector<2048x128xf32>
    %get3A_348 = arith.constant 6144 : index
    %get3A_349 = arith.constant 0 : index
    %get3A_350 = vector.load %arg6[%get3A_348, %get3A_349] : memref<8192x128xf32, #tpu.memory_space<vmem>>, vector<256x128xf32>
    %dot_general3A_351 = arith.constant dense<0.000000e+00> : vector<2048x256xf32>
    %dot_general3A_352 = tpu.matmul %concatenate3A, %get3A_350, %dot_general3A_351 {dimension_numbers = #tpu.dot_dimension_numbers<[1], [1], [0], [0], [0, 0, 1, 0], [], []>, transpose_lhs_hint = false} : vector<2048x128xf32>, vector<256x128xf32>, vector<2048x256xf32> -> vector<2048x256xf32>
    %slice3A_353 = vector.extract_strided_slice %dot_general3A_352 {offsets = [0, 0], sizes = [2048, 128], strides = [1, 1]} : vector<2048x256xf32> to vector<2048x128xf32>
    %slice3A_354 = vector.extract_strided_slice %dot_general3A_352 {offsets = [0, 128], sizes = [2048, 128], strides = [1, 1]} : vector<2048x256xf32> to vector<2048x128xf32>
    %max3A_355 = arith.maximumf %slice3A_353, %slice3A_354 : vector<2048x128xf32>
    %gt3A_356 = arith.cmpf ogt, %max3A_355, %select_n3A_343 : vector<2048x128xf32>
    %select_n3A_357 = arith.select %gt3A_356, %max3A_355, %select_n3A_343 : vector<2048x128xi1>, vector<2048x128xf32>
    %jit3A_358 = arith.constant 24 : i32
    %broadcast_in_dim3A_359 = vector.broadcast %jit3A_358 : i32 to vector<2048x128xi32>
    %select_n3A_360 = arith.select %gt3A_356, %broadcast_in_dim3A_359, %select_n3A_346 : vector<2048x128xi1>, vector<2048x128xi32>
    %select_n3A_361 = arith.select %gt3A_356, %slice3A_353, %select_n3A_347 : vector<2048x128xi1>, vector<2048x128xf32>
    %get3A_362 = arith.constant 6400 : index
    %get3A_363 = arith.constant 0 : index
    %get3A_364 = vector.load %arg6[%get3A_362, %get3A_363] : memref<8192x128xf32, #tpu.memory_space<vmem>>, vector<256x128xf32>
    %dot_general3A_365 = arith.constant dense<0.000000e+00> : vector<2048x256xf32>
    %dot_general3A_366 = tpu.matmul %concatenate3A, %get3A_364, %dot_general3A_365 {dimension_numbers = #tpu.dot_dimension_numbers<[1], [1], [0], [0], [0, 0, 1, 0], [], []>, transpose_lhs_hint = false} : vector<2048x128xf32>, vector<256x128xf32>, vector<2048x256xf32> -> vector<2048x256xf32>
    %slice3A_367 = vector.extract_strided_slice %dot_general3A_366 {offsets = [0, 0], sizes = [2048, 128], strides = [1, 1]} : vector<2048x256xf32> to vector<2048x128xf32>
    %slice3A_368 = vector.extract_strided_slice %dot_general3A_366 {offsets = [0, 128], sizes = [2048, 128], strides = [1, 1]} : vector<2048x256xf32> to vector<2048x128xf32>
    %max3A_369 = arith.maximumf %slice3A_367, %slice3A_368 : vector<2048x128xf32>
    %gt3A_370 = arith.cmpf ogt, %max3A_369, %select_n3A_357 : vector<2048x128xf32>
    %select_n3A_371 = arith.select %gt3A_370, %max3A_369, %select_n3A_357 : vector<2048x128xi1>, vector<2048x128xf32>
    %jit3A_372 = arith.constant 25 : i32
    %broadcast_in_dim3A_373 = vector.broadcast %jit3A_372 : i32 to vector<2048x128xi32>
    %select_n3A_374 = arith.select %gt3A_370, %broadcast_in_dim3A_373, %select_n3A_360 : vector<2048x128xi1>, vector<2048x128xi32>
    %select_n3A_375 = arith.select %gt3A_370, %slice3A_367, %select_n3A_361 : vector<2048x128xi1>, vector<2048x128xf32>
    %get3A_376 = arith.constant 6656 : index
    %get3A_377 = arith.constant 0 : index
    %get3A_378 = vector.load %arg6[%get3A_376, %get3A_377] : memref<8192x128xf32, #tpu.memory_space<vmem>>, vector<256x128xf32>
    %dot_general3A_379 = arith.constant dense<0.000000e+00> : vector<2048x256xf32>
    %dot_general3A_380 = tpu.matmul %concatenate3A, %get3A_378, %dot_general3A_379 {dimension_numbers = #tpu.dot_dimension_numbers<[1], [1], [0], [0], [0, 0, 1, 0], [], []>, transpose_lhs_hint = false} : vector<2048x128xf32>, vector<256x128xf32>, vector<2048x256xf32> -> vector<2048x256xf32>
    %slice3A_381 = vector.extract_strided_slice %dot_general3A_380 {offsets = [0, 0], sizes = [2048, 128], strides = [1, 1]} : vector<2048x256xf32> to vector<2048x128xf32>
    %slice3A_382 = vector.extract_strided_slice %dot_general3A_380 {offsets = [0, 128], sizes = [2048, 128], strides = [1, 1]} : vector<2048x256xf32> to vector<2048x128xf32>
    %max3A_383 = arith.maximumf %slice3A_381, %slice3A_382 : vector<2048x128xf32>
    %gt3A_384 = arith.cmpf ogt, %max3A_383, %select_n3A_371 : vector<2048x128xf32>
    %select_n3A_385 = arith.select %gt3A_384, %max3A_383, %select_n3A_371 : vector<2048x128xi1>, vector<2048x128xf32>
    %jit3A_386 = arith.constant 26 : i32
    %broadcast_in_dim3A_387 = vector.broadcast %jit3A_386 : i32 to vector<2048x128xi32>
    %select_n3A_388 = arith.select %gt3A_384, %broadcast_in_dim3A_387, %select_n3A_374 : vector<2048x128xi1>, vector<2048x128xi32>
    %select_n3A_389 = arith.select %gt3A_384, %slice3A_381, %select_n3A_375 : vector<2048x128xi1>, vector<2048x128xf32>
    %get3A_390 = arith.constant 6912 : index
    %get3A_391 = arith.constant 0 : index
    %get3A_392 = vector.load %arg6[%get3A_390, %get3A_391] : memref<8192x128xf32, #tpu.memory_space<vmem>>, vector<256x128xf32>
    %dot_general3A_393 = arith.constant dense<0.000000e+00> : vector<2048x256xf32>
    %dot_general3A_394 = tpu.matmul %concatenate3A, %get3A_392, %dot_general3A_393 {dimension_numbers = #tpu.dot_dimension_numbers<[1], [1], [0], [0], [0, 0, 1, 0], [], []>, transpose_lhs_hint = false} : vector<2048x128xf32>, vector<256x128xf32>, vector<2048x256xf32> -> vector<2048x256xf32>
    %slice3A_395 = vector.extract_strided_slice %dot_general3A_394 {offsets = [0, 0], sizes = [2048, 128], strides = [1, 1]} : vector<2048x256xf32> to vector<2048x128xf32>
    %slice3A_396 = vector.extract_strided_slice %dot_general3A_394 {offsets = [0, 128], sizes = [2048, 128], strides = [1, 1]} : vector<2048x256xf32> to vector<2048x128xf32>
    %max3A_397 = arith.maximumf %slice3A_395, %slice3A_396 : vector<2048x128xf32>
    %gt3A_398 = arith.cmpf ogt, %max3A_397, %select_n3A_385 : vector<2048x128xf32>
    %select_n3A_399 = arith.select %gt3A_398, %max3A_397, %select_n3A_385 : vector<2048x128xi1>, vector<2048x128xf32>
    %jit3A_400 = arith.constant 27 : i32
    %broadcast_in_dim3A_401 = vector.broadcast %jit3A_400 : i32 to vector<2048x128xi32>
    %select_n3A_402 = arith.select %gt3A_398, %broadcast_in_dim3A_401, %select_n3A_388 : vector<2048x128xi1>, vector<2048x128xi32>
    %select_n3A_403 = arith.select %gt3A_398, %slice3A_395, %select_n3A_389 : vector<2048x128xi1>, vector<2048x128xf32>
    %get3A_404 = arith.constant 7168 : index
    %get3A_405 = arith.constant 0 : index
    %get3A_406 = vector.load %arg6[%get3A_404, %get3A_405] : memref<8192x128xf32, #tpu.memory_space<vmem>>, vector<256x128xf32>
    %dot_general3A_407 = arith.constant dense<0.000000e+00> : vector<2048x256xf32>
    %dot_general3A_408 = tpu.matmul %concatenate3A, %get3A_406, %dot_general3A_407 {dimension_numbers = #tpu.dot_dimension_numbers<[1], [1], [0], [0], [0, 0, 1, 0], [], []>, transpose_lhs_hint = false} : vector<2048x128xf32>, vector<256x128xf32>, vector<2048x256xf32> -> vector<2048x256xf32>
    %slice3A_409 = vector.extract_strided_slice %dot_general3A_408 {offsets = [0, 0], sizes = [2048, 128], strides = [1, 1]} : vector<2048x256xf32> to vector<2048x128xf32>
    %slice3A_410 = vector.extract_strided_slice %dot_general3A_408 {offsets = [0, 128], sizes = [2048, 128], strides = [1, 1]} : vector<2048x256xf32> to vector<2048x128xf32>
    %max3A_411 = arith.maximumf %slice3A_409, %slice3A_410 : vector<2048x128xf32>
    %gt3A_412 = arith.cmpf ogt, %max3A_411, %select_n3A_399 : vector<2048x128xf32>
    %select_n3A_413 = arith.select %gt3A_412, %max3A_411, %select_n3A_399 : vector<2048x128xi1>, vector<2048x128xf32>
    %jit3A_414 = arith.constant 28 : i32
    %broadcast_in_dim3A_415 = vector.broadcast %jit3A_414 : i32 to vector<2048x128xi32>
    %select_n3A_416 = arith.select %gt3A_412, %broadcast_in_dim3A_415, %select_n3A_402 : vector<2048x128xi1>, vector<2048x128xi32>
    %select_n3A_417 = arith.select %gt3A_412, %slice3A_409, %select_n3A_403 : vector<2048x128xi1>, vector<2048x128xf32>
    %get3A_418 = arith.constant 7424 : index
    %get3A_419 = arith.constant 0 : index
    %get3A_420 = vector.load %arg6[%get3A_418, %get3A_419] : memref<8192x128xf32, #tpu.memory_space<vmem>>, vector<256x128xf32>
    %dot_general3A_421 = arith.constant dense<0.000000e+00> : vector<2048x256xf32>
    %dot_general3A_422 = tpu.matmul %concatenate3A, %get3A_420, %dot_general3A_421 {dimension_numbers = #tpu.dot_dimension_numbers<[1], [1], [0], [0], [0, 0, 1, 0], [], []>, transpose_lhs_hint = false} : vector<2048x128xf32>, vector<256x128xf32>, vector<2048x256xf32> -> vector<2048x256xf32>
    %slice3A_423 = vector.extract_strided_slice %dot_general3A_422 {offsets = [0, 0], sizes = [2048, 128], strides = [1, 1]} : vector<2048x256xf32> to vector<2048x128xf32>
    %slice3A_424 = vector.extract_strided_slice %dot_general3A_422 {offsets = [0, 128], sizes = [2048, 128], strides = [1, 1]} : vector<2048x256xf32> to vector<2048x128xf32>
    %max3A_425 = arith.maximumf %slice3A_423, %slice3A_424 : vector<2048x128xf32>
    %gt3A_426 = arith.cmpf ogt, %max3A_425, %select_n3A_413 : vector<2048x128xf32>
    %select_n3A_427 = arith.select %gt3A_426, %max3A_425, %select_n3A_413 : vector<2048x128xi1>, vector<2048x128xf32>
    %jit3A_428 = arith.constant 29 : i32
    %broadcast_in_dim3A_429 = vector.broadcast %jit3A_428 : i32 to vector<2048x128xi32>
    %select_n3A_430 = arith.select %gt3A_426, %broadcast_in_dim3A_429, %select_n3A_416 : vector<2048x128xi1>, vector<2048x128xi32>
    %select_n3A_431 = arith.select %gt3A_426, %slice3A_423, %select_n3A_417 : vector<2048x128xi1>, vector<2048x128xf32>
    %get3A_432 = arith.constant 7680 : index
    %get3A_433 = arith.constant 0 : index
    %get3A_434 = vector.load %arg6[%get3A_432, %get3A_433] : memref<8192x128xf32, #tpu.memory_space<vmem>>, vector<256x128xf32>
    %dot_general3A_435 = arith.constant dense<0.000000e+00> : vector<2048x256xf32>
    %dot_general3A_436 = tpu.matmul %concatenate3A, %get3A_434, %dot_general3A_435 {dimension_numbers = #tpu.dot_dimension_numbers<[1], [1], [0], [0], [0, 0, 1, 0], [], []>, transpose_lhs_hint = false} : vector<2048x128xf32>, vector<256x128xf32>, vector<2048x256xf32> -> vector<2048x256xf32>
    %slice3A_437 = vector.extract_strided_slice %dot_general3A_436 {offsets = [0, 0], sizes = [2048, 128], strides = [1, 1]} : vector<2048x256xf32> to vector<2048x128xf32>
    %slice3A_438 = vector.extract_strided_slice %dot_general3A_436 {offsets = [0, 128], sizes = [2048, 128], strides = [1, 1]} : vector<2048x256xf32> to vector<2048x128xf32>
    %max3A_439 = arith.maximumf %slice3A_437, %slice3A_438 : vector<2048x128xf32>
    %gt3A_440 = arith.cmpf ogt, %max3A_439, %select_n3A_427 : vector<2048x128xf32>
    %select_n3A_441 = arith.select %gt3A_440, %max3A_439, %select_n3A_427 : vector<2048x128xi1>, vector<2048x128xf32>
    %jit3A_442 = arith.constant 30 : i32
    %broadcast_in_dim3A_443 = vector.broadcast %jit3A_442 : i32 to vector<2048x128xi32>
    %select_n3A_444 = arith.select %gt3A_440, %broadcast_in_dim3A_443, %select_n3A_430 : vector<2048x128xi1>, vector<2048x128xi32>
    %select_n3A_445 = arith.select %gt3A_440, %slice3A_437, %select_n3A_431 : vector<2048x128xi1>, vector<2048x128xf32>
    %get3A_446 = arith.constant 7936 : index
    %get3A_447 = arith.constant 0 : index
    %get3A_448 = vector.load %arg6[%get3A_446, %get3A_447] : memref<8192x128xf32, #tpu.memory_space<vmem>>, vector<256x128xf32>
    %dot_general3A_449 = arith.constant dense<0.000000e+00> : vector<2048x256xf32>
    %dot_general3A_450 = tpu.matmul %concatenate3A, %get3A_448, %dot_general3A_449 {dimension_numbers = #tpu.dot_dimension_numbers<[1], [1], [0], [0], [0, 0, 1, 0], [], []>, transpose_lhs_hint = false} : vector<2048x128xf32>, vector<256x128xf32>, vector<2048x256xf32> -> vector<2048x256xf32>
    %slice3A_451 = vector.extract_strided_slice %dot_general3A_450 {offsets = [0, 0], sizes = [2048, 128], strides = [1, 1]} : vector<2048x256xf32> to vector<2048x128xf32>
    %slice3A_452 = vector.extract_strided_slice %dot_general3A_450 {offsets = [0, 128], sizes = [2048, 128], strides = [1, 1]} : vector<2048x256xf32> to vector<2048x128xf32>
    %max3A_453 = arith.maximumf %slice3A_451, %slice3A_452 : vector<2048x128xf32>
    %gt3A_454 = arith.cmpf ogt, %max3A_453, %select_n3A_441 : vector<2048x128xf32>
    %select_n3A_455 = arith.select %gt3A_454, %max3A_453, %select_n3A_441 : vector<2048x128xi1>, vector<2048x128xf32>
    %jit3A_456 = arith.constant 31 : i32
    %broadcast_in_dim3A_457 = vector.broadcast %jit3A_456 : i32 to vector<2048x128xi32>
    %select_n3A_458 = arith.select %gt3A_454, %broadcast_in_dim3A_457, %select_n3A_444 : vector<2048x128xi1>, vector<2048x128xi32>
    %select_n3A_459 = arith.select %gt3A_454, %slice3A_451, %select_n3A_445 : vector<2048x128xi1>, vector<2048x128xf32>
    %reduce_max3A = arith.constant dense<0xFF800000> : vector<2048xf32>
    %reduce_max3A_460 = vector.multi_reduction <maximumf>, %select_n3A_455, %reduce_max3A [1] : vector<2048x128xf32> to vector<2048xf32>
    %broadcast_in_dim3A_461 = vector.shape_cast %reduce_max3A_460 : vector<2048xf32> to vector<2048x1xf32>
    %mul3A_462 = arith.constant 256 : i32
    %mul3A_463 = vector.broadcast %mul3A_462 : i32 to vector<2048x128xi32>
    %mul3A_464 = arith.muli %select_n3A_458, %mul3A_463 : vector<2048x128xi32>
    %eq3A_465 = arith.cmpf oeq, %select_n3A_459, %select_n3A_455 : vector<2048x128xf32>
    %jit3A_466 = arith.constant 0 : i32
    %jit3A_467 = arith.constant 128 : i32
    %broadcast_in_dim3A_468 = vector.broadcast %jit3A_466 : i32 to vector<2048x128xi32>
    %broadcast_in_dim3A_469 = vector.broadcast %jit3A_467 : i32 to vector<2048x128xi32>
    %select_n3A_470 = arith.select %eq3A_465, %broadcast_in_dim3A_468, %broadcast_in_dim3A_469 : vector<2048x128xi1>, vector<2048x128xi32>
    %add3A = arith.addi %mul3A_464, %select_n3A_470 : vector<2048x128xi32>
    %iota3A = tpu.iota {dimensions = array<i32: 1>} : vector<2048x128xi32>
    %add3A_471 = arith.addi %add3A, %iota3A : vector<2048x128xi32>
    %eq3A_472 = vector.broadcast %broadcast_in_dim3A_461 : vector<2048x1xf32> to vector<2048x128xf32>
    %eq3A_473 = arith.cmpf oeq, %select_n3A_455, %eq3A_472 : vector<2048x128xf32>
    %jit3A_474 = arith.constant 1073741824 : i32
    %broadcast_in_dim3A_475 = vector.broadcast %jit3A_474 : i32 to vector<2048x128xi32>
    %select_n3A_476 = arith.select %eq3A_473, %add3A_471, %broadcast_in_dim3A_475 : vector<2048x128xi1>, vector<2048x128xi32>
    %reduce_min3A = arith.constant dense<2147483647> : vector<2048xi32>
    %reduce_min3A_477 = vector.multi_reduction <minsi>, %select_n3A_476, %reduce_min3A [1] : vector<2048x128xi32> to vector<2048xi32>
    %reshape3A_478 = vector.shape_cast %reduce_min3A_477 : vector<2048xi32> to vector<8x256xi32>
    %swap3A = arith.constant 0 : index
    %swap3A_479 = arith.constant 0 : index
    %swap3A_480 = vector.load %arg3[%swap3A, %swap3A_479] : memref<8x256xi32, #tpu.memory_space<vmem>>, vector<8x256xi32>
    tpu.vector_store %arg3[%swap3A, %swap3A_479], %reshape3A_478 {strides = array<i32>} : memref<8x256xi32, #tpu.memory_space<vmem>>, vector<8x256xi32>,
    %mul3A_481 = arith.mulf %sqrt3A, %sqrt3A : vector<2048x1xf32>
    %mul3A_482 = arith.constant 2.000000e+00 : f32
    %mul3A_483 = vector.broadcast %mul3A_482 : f32 to vector<2048x1xf32>
    %mul3A_484 = arith.mulf %mul3A_483, %sqrt3A : vector<2048x1xf32>
    %mul3A_485 = arith.mulf %mul3A_484, %broadcast_in_dim3A_461 : vector<2048x1xf32>
    %sub3A = arith.subf %mul3A_481, %mul3A_485 : vector<2048x1xf32>
    %add3A_486 = arith.constant 1.000000e+00 : f32
    %add3A_487 = vector.broadcast %add3A_486 : f32 to vector<2048x1xf32>
    %add3A_488 = arith.addf %sub3A, %add3A_487 : vector<2048x1xf32>
    %reduce_sum3A_489 = vector.shape_cast %add3A_488 : vector<2048x1xf32> to vector<1x2048x1xf32>
    %reduce_sum3A_490 = arith.constant dense<0.000000e+00> : vector<1xf32>
    %reduce_sum3A_491 = vector.multi_reduction <add>, %reduce_sum3A_489, %reduce_sum3A_490 [1, 2] : vector<1x2048x1xf32> to vector<1xf32>
    %reduce_sum3A_492 = vector.shape_cast %reduce_sum3A_491 : vector<1xf32> to vector<1x1x1xf32>
    %reduce_sum3A_493 = vector.extract %reduce_sum3A_492[0, 0, 0] : f32 from vector<1x1x1xf32>
    %broadcast_in_dim3A_494 = vector.broadcast %reduce_sum3A_493 : f32 to vector<1x1xf32>
    %eq3A_495 = arith.constant 0 : i32
    %eq3A_496 = arith.cmpi eq, %arg0, %eq3A_495 : i32
    %convert_element_type3A_497 = arith.extui %eq3A_496 : i1 to i32
    %cond3A_498 = arith.constant 0 : i32
    %cond3A_499 = arith.cmpi ne, %convert_element_type3A_497, %cond3A_498 : i32
    scf.if %cond3A_499 {
      %broadcast_in_dim3A_510 = arith.constant 0.000000e+00 : f32
      %broadcast_in_dim3A_511 = vector.broadcast %broadcast_in_dim3A_510 : f32 to vector<1x1xf32>
      %swap3A_512 = arith.constant 0 : index
      %swap3A_513 = arith.constant 0 : index
      %swap3A_514 = vector.load %arg4[%swap3A_512, %swap3A_513] : memref<1x1xf32, #tpu.memory_space<vmem>>, vector<1x1xf32>
      tpu.vector_store %arg4[%swap3A_512, %swap3A_513], %broadcast_in_dim3A_511 {strides = array<i32>} : memref<1x1xf32, #tpu.memory_space<vmem>>, vector<1x1xf32>,
    } else {
    }
    %get3A_500 = arith.constant 0 : index
    %get3A_501 = arith.constant 0 : index
    %get3A_502 = vector.load %arg4[%get3A_500, %get3A_501] : memref<1x1xf32, #tpu.memory_space<vmem>>, vector<1x1xf32>
    %mul3A_503 = arith.constant 4.76837158E-7 : f32
    %mul3A_504 = vector.broadcast %mul3A_503 : f32 to vector<1x1xf32>
    %mul3A_505 = arith.mulf %broadcast_in_dim3A_494, %mul3A_504 : vector<1x1xf32>
    %add3A_506 = arith.addf %get3A_502, %mul3A_505 : vector<1x1xf32>
    %swap3A_507 = arith.constant 0 : index
    %swap3A_508 = arith.constant 0 : index
    %swap3A_509 = vector.load %arg4[%swap3A_507, %swap3A_508] : memref<1x1xf32, #tpu.memory_space<vmem>>, vector<1x1xf32>
    tpu.vector_store %arg4[%swap3A_507, %swap3A_508], %add3A_506 {strides = array<i32>} : memref<1x1xf32, #tpu.memory_space<vmem>>, vector<1x1xf32>,
    return
  }
  func.func @transform_0(%arg0: i32) -> (i32, i32, i32) {
    %c0_i32 = arith.constant 0 : i32
    %c0_i32_0 = arith.constant 0 : i32
    %c0_i32_1 = arith.constant 0 : i32
    return %arg0, %c0_i32, %c0_i32_0 : i32, i32, i32
  }
  func.func @transform_1(%arg0: i32) -> (i32, i32) {
    %c0_i32 = arith.constant 0 : i32
    %c0_i32_0 = arith.constant 0 : i32
    %c0_i32_1 = arith.constant 0 : i32
    return %c0_i32, %c0_i32_0 : i32, i32
  }
  func.func @transform_2(%arg0: i32) -> (i32, i32) {
    %c0_i32 = arith.constant 0 : i32
    %c0_i32_0 = arith.constant 0 : i32
    return %arg0, %c0_i32 : i32, i32
  }
  func.func @transform_3(%arg0: i32) -> (i32, i32) {
    %c0_i32 = arith.constant 0 : i32
    %c0_i32_0 = arith.constant 0 : i32
    %c0_i32_1 = arith.constant 0 : i32
    return %c0_i32, %c0_i32_0 : i32, i32
  }
  func.func @transform_4(%arg0: i32) -> (i32, i32) {
    %c0_i32 = arith.constant 0 : i32
    %c0_i32_0 = arith.constant 0 : i32
    %c0_i32_1 = arith.constant 0 : i32
    return %c0_i32, %c0_i32_0 : i32, i32
  }
}

</mosaic_0001>

<sc_bundles>
// kernel: kernel.4.cloned.1.call-start
scs
__scs_entry_jumppad:
0x0: {  	(pc) =	sbr.rel $0x88, $3  }
0x1: {  	(tag) =	ssettag $0x0;
	lr =	simm.s32 $0x1  }
0x2: {  	[smem:$0x3F9F] =	sst lr;
	_ =	strace $0xD0000000  }
0x3: {  	_ = 	snop  }
0x4: {  	_ = 	snop  }
0x5: {  	_ = 	snop  }
0x6: {  	_ = 	snop  }
0x7: {  	_ = 	snop  }
__scs_overlays_trampoline_lowered:
0x8: {  	[smem:$0x3FAE] =	sst s0  }
0x9: {  	[smem:$0x3FAF] =	sst s1  }
0xa: {  	[smem:$0x3FB0] =	sst s2  }
0xb: {  	[smem:$0x3FB1] =	sst s3  }
0xc: {  	[smem:$0x3FB2] =	sst s4  }
0xd: {  	[smem:$0x3FB3] =	sst s5  }
0xe: {  	[smem:$0x3FB4] =	sst s6  }
0xf: {  	[smem:$0x3FB5] =	sst s7  }
0x10: {  	[smem:$0x3FB6] =	sst s8  }
0x11: {  	[smem:$0x3FB7] =	sst s9;
	s0 =	simm.s32 @!p0 $0x0  }
0x12: {  	s1 =	sld [smem:$0x3F9D];
	s0 =	simm.s32 @p0 $0x1  }
0x13: {  	[smem:$0x3FB8] =	sst s0;
	s0 =	simm.s32 @!p1 $0x0  }
0x14: {  	s2 =	sld [smem:$0x3F9C];
	s0 =	simm.s32 @p1 $0x1  }
0x15: {  	[smem:$0x3FB9] =	sst s0;
	s0 =	simm.s32 @!p2 $0x0  }
0x16: {  	s3 =	sld [smem:$0x3FDB];
	s0 =	simm.s32 @p2 $0x1  }
0x17: {  	s4 =	simm.s32 $0x1BF5;
	[smem:$0x3FBB] =	sst s0  }
0x18: {  	s0 =	sld [smem:$0x3F9E];
	_ =	swait.ge [sflag:s4], $0x0  }
0x19: {  	s7 =	sld [smem:$0x3F9F]  }
0x1a: {  	s8 =	sadd.s32 $0xFFFFE003, lr  }
0x1b: {  	s9 =	sadd.s32 $0xFFFFFEF7, lr;
	s5 =	simm.s32 $0xFFFFFFFF;
	p2 =	slt.u32 s8, $0xFFFFF086  }
0x1c: {  	p1 =	slt.u32 s9, $0xF7A;
	s5 =	simm.s32 @!p2 $0x0  }
0x1d: {  	s5 =	simm.s32 @p1 $0x1;
	p0 =	seq.s32 s7, s2  }
0x1e: {  	s7 =	smul.u32 @!p0 $0xF7A, s2;
	p2 =	seq.s32 @!p0 s5, $0x0  }
0x1f: {  	s9 =	smul.u32 $0xF7A, s1;
	s8 =	simm.s32 @!p0 $0x1BF5;
	p2 =	por !p2, p0  }
0x20: {  	[sflag:s8] =	ssyncset.s32 @!p0 $0xFFFFF086;
	s6 =	sadd.s32 @!p0 s3, s7;
	s7 =	simm.s32 @!p0 $0x108  }
0x21: {  	s3 =	sadd.s32 s3, s9;
	s6 =	sadd.s32 @!p0 $0x88, s6;
	s7 =	simm.s32 @p2 $0x1082  }
0x22: {  	[simem:s7], [sflag:s8] =	dma.local @!p0 [hbm:s6], $0xF7A  }
0x23: {  	s9 =	sor.u32 $0xD0000000, s2;
	s6 =	simm.s32 $0x108;
	_ =	swait.ge @!p0 [sflag:s8], $0x0  }
0x24: {  	s3 =	sadd.s32 $0x88, s3;
	s6 =	simm.s32 @!p1 $0x1082;
	[sflag:s4] =	ssyncset.s32 $0xFFFFF086  }
0x25: {  	[simem:s6], [sflag:s4] =	dma.local [hbm:s3], $0xF7A  }
0x26: {  	[smem:$0x3F9F] =	sst s1;
	(tag) =	ssettag s2;
	_ =	strace s9  }
0x27: {  	s1 =	sld [smem:$0x3FAF]  }
0x28: {  	s2 =	sld [smem:$0x3FB0]  }
0x29: {  	s4 =	sld [smem:$0x3FB2]  }
0x2a: {  	p0 =	seq.s32 s5, $0x0;
	s5 =	sld [smem:$0x3FB3]  }
0x2b: {  	s6 =	sld [smem:$0x3FB4]  }
0x2c: {  	s7 =	sld [smem:$0x3FB5]  }
0x2d: {  	s3 =	simm.s32 $0x108;
	s8 =	sld [smem:$0x3FB6]  }
0x2e: {  	s3 =	simm.s32 @!p0 $0x1082;
	s9 =	sld [smem:$0x3FB7]  }
0x2f: {  	lr =	sadd.s32 s0, s3;
	s0 =	sld [smem:$0x3FAE]  }
0x30: {  	s3 =	sld [smem:$0x3FB1]  }
0x31: {  	[smem:$0x3FBA] =	sst s10  }
0x32: {  	s10 =	sld [smem:$0x3FB8];
	_ =	sdelay $0x3  }
0x33: {  	p0 =	seq.s32 s10, $0x1;
	s10 =	sld [smem:$0x3FBA];
	_ =	sdelay $0x3  }
0x34: {  	[smem:$0x3FBA] =	sst s10  }
0x35: {  	s10 =	sld [smem:$0x3FB9];
	_ =	sdelay $0x3  }
0x36: {  	p1 =	seq.s32 s10, $0x1;
	s10 =	sld [smem:$0x3FBA];
	_ =	sdelay $0x3  }
0x37: {  	[smem:$0x3FBA] =	sst s10  }
0x38: {  	s10 =	sld [smem:$0x3FBB]  }
0x39: {  	_ = 	snop;
	(pc) =	sbr.ind lr, $3  }
0x3a: {  	_ = 	snop  }
0x3b: {  	_ = 	snop  }
0x3c: {  	p2 =	seq.s32 s10, $0x1;
	s10 =	sld [smem:$0x3FBA]  }
0x3d: {  	_ =	shalt  }
0x3e: {  	_ =	shalt  }
0x3f: {  	_ =	shalt  }
0x40: {  	_ =	shalt  }
0x41: {  	_ =	shalt  }
0x42: {  	_ =	shalt  }
0x43: {  	_ =	shalt  }
0x44: {  	_ =	shalt  }
0x45: {  	_ =	shalt  }
0x46: {  	_ =	shalt  }
0x47: {  	_ =	shalt  }
0x48: {  	_ =	shalt  }
0x49: {  	_ =	shalt  }
0x4a: {  	_ =	shalt  }
0x4b: {  	_ =	shalt  }
0x4c: {  	_ =	shalt  }
0x4d: {  	_ =	shalt  }
0x4e: {  	_ =	shalt  }
0x4f: {  	_ =	shalt  }
0x50: {  	_ =	shalt  }
0x51: {  	_ =	shalt  }
0x52: {  	_ =	shalt  }
0x53: {  	_ =	shalt  }
0x54: {  	_ =	shalt  }
0x55: {  	_ =	shalt  }
0x56: {  	_ =	shalt  }
0x57: {  	_ =	shalt  }
0x58: {  	_ =	shalt  }
0x59: {  	_ =	shalt  }
0x5a: {  	_ =	shalt  }
0x5b: {  	_ =	shalt  }
0x5c: {  	_ =	shalt  }
0x5d: {  	_ =	shalt  }
0x5e: {  	_ =	shalt  }
0x5f: {  	_ =	shalt  }
0x60: {  	_ =	shalt  }
0x61: {  	_ =	shalt  }
0x62: {  	_ =	shalt  }
0x63: {  	_ =	shalt  }
0x64: {  	_ =	shalt  }
0x65: {  	_ =	shalt  }
0x66: {  	_ =	shalt  }
0x67: {  	_ =	shalt  }
0x68: {  	_ =	shalt  }
0x69: {  	_ =	shalt  }
0x6a: {  	_ =	shalt  }
0x6b: {  	_ =	shalt  }
0x6c: {  	_ =	shalt  }
0x6d: {  	_ =	shalt  }
0x6e: {  	_ =	shalt  }
0x6f: {  	_ =	shalt  }
0x70: {  	_ =	shalt  }
0x71: {  	_ =	shalt  }
0x72: {  	_ =	shalt  }
0x73: {  	_ =	shalt  }
0x74: {  	_ =	shalt  }
0x75: {  	_ =	shalt  }
0x76: {  	_ =	shalt  }
0x77: {  	_ =	shalt  }
0x78: {  	_ =	shalt  }
0x79: {  	_ =	shalt  }
0x7a: {  	_ =	shalt  }
0x7b: {  	_ =	shalt  }
0x7c: {  	_ =	shalt  }
0x7d: {  	_ =	shalt  }
0x7e: {  	_ =	shalt  }
0x7f: {  	_ =	shalt  }
0x80: {  	_ =	shalt  }
0x81: {  	_ =	shalt  }
0x82: {  	_ =	shalt  }
0x83: {  	_ =	shalt  }
0x84: {  	_ =	shalt  }
0x85: {  	_ =	shalt  }
0x86: {  	_ =	shalt  }
0x87: {  	_ =	shalt  }
.Lfunc_end0:
.L_simem_size_0:
called_computation_lowered:
.L_overlay_start_0:
0x88: {  	s2 =	sld [smem:$0x3FD9]  }
0x89: {  	s3 =	sld [smem:$0x3FFE];
	_ =	sdelay $0x1  }
0x8a: {  	s1 =	srdreg.scid  }
0x8b: {  	s0 =	sand.u32 $0x1, s1  }
0x8c: {  	s14 =	sshll.u32 s0, $0xA;
	s2 =	sadd.s32 s3, s2  }
0x8d: {  	s2 =	sadd.s32 s2, s14  }
0x8e: {  	[smem:$0x3FC6] =	sst s2  }
0x8f: {  	_ = 	snop  }
0x90: {  	s2 =	sld [smem:$0x3FD0];
	_ =	sdelay $0x2  }
0x91: {  	s15 =	simm.s32 $0xA;
	s4 =	simm.s32 $0x10  }
0x92: {  	[smem:s4], [sflag:s15] =	dma.local [hbm:s2], $0x1  }
0x93: {  	_ =	swait.eq [sflag:s15], $0x1  }
0x94: {  	[sflag:s15] =	ssyncset.done $0x0  }
0x95: {  	[sflag:s15] =	ssyncadd.s32 $0xFFFFFFFF  }
0x96: {  	s16 =	sld [smem:$0x10];
	(tm) =	ssettm $0x1  }
0x97: {  	s17 =	sld [smem:$0x3FFB];
	_ =	sdelay $0x3  }
0x98: {  	_ =	strace s17  }
0x99: {  	s3 =	sld [smem:$0x3FFC];
	_ =	sdelay $0x3  }
0x9a: {  	_ =	strace s3  }
0x9b: {  	s3 =	sld [smem:$0x3FFD];
	_ =	sdelay $0x3  }
0x9c: {  	_ =	strace s3  }
0x9d: {  	_ =	strace $0x8FFFFFFF  }
0x9e: {  	s18 =	sld [smem:$0x3FDB];
	_ =	sdelay $0x1  }
0x9f: {  	s19 =	simm.s32 $_scs_section_size  }
0xa0: {  	s5 =	simm.s32 $_size__tile_overlayer_lowered;
	s6 =	simm.s32 $_tile_overlayer_lowered  }
0xa1: {  	s22 =	simm.s32 $0x1BFF;
	s21 =	sshll.u32 s6, $0x1;
	s3 =	sadd.s32 s19, s18  }
0xa2: {  	s7 =	simm.s32 $0x0;
	s20 =	sshll.u32 s5, $0x1;
	s5 =	sadd.s32 s21, s3  }
0xa3: {  	[timem:s7], [sflag:s22] =	dma.local [hbm:s5], s20  }
0xa4: {  	_ =	swait.ge [sflag:s22], s20  }
0xa5: {  	s4 =	ssub.s32 $0x0, s20;
	[sflag:s22] =	ssyncset.done $0x0  }
0xa6: {  	[sflag:s22] =	ssyncadd.s32 s4;
	_ =	sdelay $0x1  }
0xa7: {  	s23 =	simm.s32 $0x1B8B  }
0xa8: {  	_ =	swait.ge [sflag:s23], $0x1  }
0xa9: {  	[sflag:s23] =	ssyncset.done $0x0  }
0xaa: {  	s25 =	simm.s32 $0x1B8E;
	s24 =	sld [smem:$0x3FFE];
	[sflag:s23] =	ssyncadd.s32 $0xFFFFFFFF  }
0xab: {  	s26 =	simm.s32 $execute0_lowered;
	[smem:$0x3FD2] =	sst s25  }
0xac: {  	s5 =	sshll.u32 s26, $0x1;
	_ =	strace $0x80000046;
	[dreg:$0x1] =	wrdreg $0xFFFFFFFF  }
0xad: {  	s28 =	simm.s32 $_size_execute0_lowered;
	s3 =	sadd.s32 s3, s5;
	[dreg:$0x0] =	wrdreg $0x0  }
0xae: {  	s5 =	sshll.u32 s28, $0x1;
	[dreg:$0x2] =	wrdreg s3  }
0xaf: {  	[dreg:$0x3] =	wrdreg s5  }
0xb0: {  	[dreg:$0x4] =	wrdreg $0xC0  }
0xb1: {  	_ =	task [dreg:s7], $0x5FFFF  }
0xb2: {  	[dreg:$0x1] =	wrdreg $0xFFFFFFFF  }
0xb3: {  	[dreg:$0x0] =	wrdreg $0x60  }
0xb4: {  	[dreg:$0x2] =	wrdreg s24  }
0xb5: {  	[dreg:$0x3] =	wrdreg s16  }
0xb6: {  	[dreg:$0x4] =	wrdreg $0x9  }
0xb7: {  	_ =	task.clear_ibuf [dreg:s7], $0x5FFFF;
	_ =	strace $0x90000046  }
0xb8: {  	s29 =	simm.s32 $0x9;
	_ =	strace $0x80000048  }
0xb9: {  	_ =	swait.ge [sflag:s29], $0x1  }
0xba: {  	[sflag:s29] =	ssyncadd.s32 $0xFFFFFFFF  }
0xbb: {  	_ =	strace $0x90000048  }
0xbc: {  	_ =	sfence  }
0xbd: {  	s30 =	sld [smem:$0x0];
	_ =	sdelay $0x2  }
0xbe: {  	s31 =	sshll.u32 s1, $0xD;
	s1 =	sshrl.u32 s1, $0x2  }
0xbf: {  	s3 =	sand.u32 $0x4000, s31;
	s1 =	sadd.s32 s1, s30  }
0xc0: {  	s0 =	sor.u32 s3, s0;
	s1 =	sshll.u32 s1, $0x11  }
0xc1: {  	s0 =	sor.u32 s1, s0  }
0xc2: {  	s0 =	sadd.s32 $0x8F2B, s0  }
0xc3: {  	[sflag:s0] =	ssyncadd.remote.s32 $0x1  }
0xc4: {  	_ =	sfence.sel $0xFFFF  }
0xc5: {  	[dreg:$0x0] =	wrdreg $0xFFFFFFFF;
	(pc) =	sbr.abs _section_cstart, $3  }
0xc6: {  	[dreg:$0x1] =	wrdreg $0xFFFFFFFF  }
0xc7: {  	_ =	task.clear_ibuf [dreg:s7], $0x2FFFF;
	_ =	strace $0x9FFFFFFF  }
0xc8: {  	(tm) =	ssettm $0x7FFFFFFF  }
0xc9: {  	_ =	shalt  }
tec
execute0_lowered:
.L_overlay_start_1:
0x0: {  	(tag) =	ssettag $0x1  }
0x1: {  	s10 =	rddreg [dreg:$0x0];
	s1 =	srdreg.scid  }
0x2: {  	s0 =	stileid.u32;
	s3 =	rddreg [dreg:$0x1];
	s6 =	simm.s32 $0x400  }
0x3: {  	s9 =	simm.s32 $0x1;
	s8 =	sand.u32 $0x1, s1;
	s2 =	sshll.u32 s0, $0x1  }
0x4: {  	s1 =	rddreg [dreg:$0x2];
	s4 =	sshll.u32 s0, $0x6;
	s7 =	sadd.s32 $0xC00, s10  }
0x5: {  	s11 =	sor.u32 s8, s2;
	s2 =	simm.s32 $0x0;
	s4 =	sand.u32 $0x300, s4  }
0x6: {  	s12 =	ssub.s32 $0x2, s8;
	s5 =	sshll.u32 s11, $0x4;
	[smem:$0x7FF] =	sst s2  }
0x7: {  	s3 =	sadd.s32 s3, s4;
	s4 =	simm.s32 $0x80;
	s5 =	sand.u32 $0x70, s5  }
0x8: {  	_ =	strace $0x80000047;
	s3 =	sadd.s32 s5, s3;
	s5 =	simm.s32 $0x2  }
0x9: {  	[tilespmem:s2], [sflag:$0x2] =	stream.strided.gather [hbm4b:s3+s4], $0x100, s6, s4, $0x38;
	[tilespmem:$0x8100] =	vst v63  }
0xa: {  	s8 =	simm.s32 $0x100;
	s13 =	sshrl.u32 s12, $0x1;
	_ =	swait.ge [sflag:s5], $0x100  }
0xb: {  	s11 =	sshll.u32 s11, $0xC;
	s31 =	ssub.s32 s12, s13;
	[sflag:s5] =	ssyncset.done $0x0  }
0xc: {  	s10 =	sadd.s32 s11, s10;
	s11 =	smax.u32 s31, $0x1;
	[sflag:s5] =	ssyncadd.s32 $0xFFFFFF00  }
0xd: {  	[tilespmem:s8], [sflag:$0x1] =	stream.indirect.gather [hbm4b:s7+s8], $0x80, s2, s8, $0xb8;
	[tilespmem:$0x8100] =	vst v63  }
0xe: {  	p0 =	sne.s32 s11, $0x1;
	_ =	swait.ge [sflag:s9], $0x8000  }
.Ltmp0:
0xf: {  	[sflag:s9] =	ssyncset.done $0x0;
	(pc) =	sbr.rel @!p0 .LBB2_2-.Ltmp0, $4  }
0x10: {  	s10 =	sadd.s32 $0x20C00, s10;
	[sflag:s9] =	ssyncadd.s32 $0xFFFF8000  }
0x11: {  	[hbm4b:s10+s2] =	stream.linear.scatter [tilespmem:s8], [sflag:$0x2], $0x8000, $0x38;
	[tilespmem:$0x8100] =	vst v63  }
0x12: {  	_ =	swait.ge [sflag:s5], $0x8000  }
0x13: {  	s11 =	sadd.s32 $0xFFFFFFFF, s11;
	[sflag:s5] =	ssyncset.done $0x0  }
.LBB2_1:
0x14: {  	p0 =	sne.s32 s11, $0x1;
	s11 =	sadd.s32 $0xFFFFFFFF, s11;
	[sflag:s5] =	ssyncadd.s32 $0xFFFF8000  }
0x15: {  	[tilespmem:s2], [sflag:$0x2] =	stream.strided.gather [hbm4b:s3+s4], $0x100, s6, s4, $0x38;
	[tilespmem:$0x8100] =	vst v63  }
0x16: {  	_ =	swait.ge [sflag:s5], $0x100  }
0x17: {  	[sflag:s5] =	ssyncset.done $0x0  }
0x18: {  	[sflag:s5] =	ssyncadd.s32 $0xFFFFFF00  }
0x19: {  	[tilespmem:s8], [sflag:$0x1] =	stream.indirect.gather [hbm4b:s7+s8], $0x80, s2, s8, $0xb8;
	[tilespmem:$0x8100] =	vst v63  }
0x1a: {  	_ =	swait.ge [sflag:s9], $0x8000  }
.Ltmp1:
0x1b: {  	[sflag:s9] =	ssyncset.done $0x0;
	(pc) =	sbr.rel @p0 .LBB2_1-.Ltmp1, $4  }
0x1c: {  	[sflag:s9] =	ssyncadd.s32 $0xFFFF8000  }
0x1d: {  	[hbm4b:s10+s2] =	stream.linear.scatter [tilespmem:s8], [sflag:$0x2], $0x8000, $0x38;
	[tilespmem:$0x8100] =	vst v63  }
0x1e: {  	_ =	swait.ge [sflag:s5], $0x8000  }
0x1f: {  	[sflag:s5] =	ssyncset.done $0x0  }
.LBB2_2:
0x20: {  	[sflag:s5] =	ssyncadd.s32 $0xFFFF8000  }
0x21: {  	_ =	sfence.sel $0x180000  }
0x22: {  	[bflag:$0x0] =	sbarrier.arrive $0xFFFF  }
0x23: {  	p0 =	sne.s32 s0, $0x0;
	_ =	strace $0x90000047  }
0x24: {  	s0 =	sadd.s32 @!p0 $0x100000, s1;
	[bflag:$0x2] =	sbarrier.arrive $0xFFFF  }
0x25: {  	[sflag:s0] =	ssyncadd.tile.s32 @!p0 $0x1;
	_ =	shalt  }
.Lfunc_end2:
_tile_overlayer_lowered:
.L_overlay_start_2:
0x26: {  	(tag) =	ssettag $0x2  }
0x27: {  	s0 =	rddreg [dreg:$0x0];
	s2 =	stileid.u32  }
0x28: {  	s1 =	rddreg [dreg:$0x1];
	p0 =	sne.s32 s2, $0x0  }
0x29: {  	s3 =	rddreg [dreg:$0x2];
	[bflag:$0x3] =	sbarrier.arrive $0xFFFF;
	s2 =	simm.s32 @!p0 $0x1C02  }
0x2a: {  	[timem:s3], [sflag:s2] =	dma.local @!p0 [hbm:s0], s1  }
0x2b: {  	s0 =	simm.s32 @!p0 $0x2  }
0x2c: {  	_ =	swait.ge @!p0 [sflag:s0], s1  }
0x2d: {  	s1 =	ssub.s32 @!p0 $0x0, s1;
	[sflag:s0] =	ssyncset.done @!p0 $0x0  }
0x2e: {  	[sflag:s0] =	ssyncadd.s32 @!p0 s1  }
0x2f: {  	[bflag:$0x3] =	sbarrier.arrive $0xFFFF  }
0x30: {  	_ =	shalt  }

</sc_bundles>
